<compile_context>
chip_gen: v7x
topology: tpu7x:2x2x1
jax: 0.10.2.dev20260603
libtpu: 0.0.44.dev20260713+nightly
codegen_flags: <defaults>
</compile_context>

<pallas_src>
import functools

import jax
import jax.numpy as jnp
from jax import lax
from jax.experimental import pallas as pl
from jax.experimental.pallas import tpu as pltpu
from jax.experimental.pallas import tpu_sc as plsc

T = 2048
DM = 768
NE = 64
HID = 512
LBL_W = 0.01
PAIRS = 2 * T
BLK = 128
MAXB = PAIRS // BLK + NE - 1
MAXB_PAD = 96
PMAX = MAXB * BLK
ACH = 256
NW = 32
PER_W = PAIRS // NW
WCH = 128
NCH = PER_W // WCH


def _router_body(x_ref, rw_ref, dest_ref, wt_ref, bexp_ref, blive_ref, bxs_ref,
                 lbl_ref):
    xf = x_ref[...]
    rw = rw_ref[...]
    logits = lax.dot_general(xf, rw, (((1,), (1,)), ((), ())))
    m = jnp.max(logits, axis=1, keepdims=True)
    ex = jnp.exp(logits - m)
    probs = ex / jnp.sum(ex, axis=1, keepdims=True)
    usage = jnp.mean(probs, axis=0, keepdims=True)
    lbl_ref[...] = LBL_W * jnp.mean((usage - 1.0 / NE) ** 2, axis=1, keepdims=True)

    iota_e = lax.broadcasted_iota(jnp.int32, (T, NE), 1)
    p1 = jnp.max(probs, axis=1, keepdims=True)
    e1 = jnp.min(jnp.where(probs == p1, iota_e, NE), axis=1, keepdims=True)
    pm = jnp.where(iota_e == e1, -1.0, probs)
    p2 = jnp.max(pm, axis=1, keepdims=True)
    e2 = jnp.min(jnp.where(pm == p2, iota_e, NE), axis=1, keepdims=True)
    s = p1 + p2
    wt_ref[...] = jnp.concatenate([p1 / s, p2 / s], axis=1)

    epair = jnp.concatenate([e1, e2], axis=0)
    iota_p = lax.broadcasted_iota(jnp.int32, (PAIRS, NE), 1)
    onehot = (epair == iota_p).astype(jnp.float32)
    tril = (lax.broadcasted_iota(jnp.int32, (ACH, ACH), 0)
            > lax.broadcasted_iota(jnp.int32, (ACH, ACH), 1)).astype(jnp.float32)
    base = jnp.zeros((1, NE), jnp.float32)
    rank_rows = []
    for c in range(PAIRS // ACH):
        mc = onehot[c * ACH:(c + 1) * ACH]
        within = lax.dot_general(tril, mc, (((1,), (0,)), ((), ())))
        rank_rows.append(jnp.sum((within + base) * mc, axis=1, keepdims=True))
        base = base + jnp.sum(mc, axis=0, keepdims=True)
    rank = jnp.concatenate(rank_rows, axis=0)

    counts = base.astype(jnp.int32)
    blkcnt = ((counts + (BLK - 1)) // BLK).astype(jnp.float32)
    triu_incl = (lax.broadcasted_iota(jnp.int32, (NE, NE), 0)
                 <= lax.broadcasted_iota(jnp.int32, (NE, NE), 1)).astype(jnp.float32)
    cumb = lax.dot_general(blkcnt, triu_incl, (((1,), (0,)), ((), ())))
    total = cumb[0, NE - 1]
    offrows = (cumb - blkcnt) * BLK
    dest = jnp.sum(onehot * offrows, axis=1, keepdims=True) + rank
    dest_ref[...] = dest.astype(jnp.int32)

    bidx = lax.broadcasted_iota(jnp.int32, (MAXB_PAD, 1), 0).astype(jnp.float32)
    bc = jnp.minimum(bidx, total - 1.0)
    bexp_ref[...] = jnp.sum((cumb <= bc).astype(jnp.int32), axis=1, keepdims=True)
    blive_ref[...] = (bidx < total).astype(jnp.int32)
    bxs_ref[...] = bc.astype(jnp.int32)


def _expert_body(bexp_ref, blive_ref, bxs_ref, xs_ref, wg_ref, wu_ref, wd_ref,
                 out_ref):
    b = pl.program_id(0)

    @pl.when(blive_ref[b] == 1)
    def _():
        xs = xs_ref[...]
        gate = lax.dot_general(xs, wg_ref[0], (((1,), (1,)), ((), ())),
                               precision=lax.Precision.DEFAULT)
        up = lax.dot_general(xs, wu_ref[0], (((1,), (1,)), ((), ())),
                             precision=lax.Precision.DEFAULT)
        act = gate * (1.0 / (1.0 + jnp.exp(-gate))) * up
        out_ref[...] = lax.dot_general(act, wd_ref[0], (((1,), (1,)), ((), ())),
                                       precision=lax.Precision.DEFAULT)


def _combine_body(wt_ref, r1_ref, r2_ref, y_ref):
    wt = wt_ref[...]
    y_ref[...] = r1_ref[...] * wt[:, 0:1] + r2_ref[...] * wt[:, 1:2]


def _stage_scatter_x(x2d, dest3):
    mesh = plsc.VectorSubcoreMesh(core_axis_name="c", subcore_axis_name="s")

    @functools.partial(
        pl.kernel, mesh=mesh,
        out_type=jax.ShapeDtypeStruct((PMAX, DM), jnp.float32),
        scratch_types=[pltpu.VMEM((NCH, WCH), jnp.int32),
                       pltpu.VMEM((WCH, DM), jnp.float32),
                       pltpu.SemaphoreType.DMA])
    def bkern(x_hbm, d_hbm, xs_hbm, idx_v, rows_v, sem):
        wid = lax.axis_index("s") * 2 + lax.axis_index("c")
        pltpu.sync_copy(d_hbm.at[wid], idx_v)
        t0 = (wid % (T // PER_W)) * PER_W
        for cc in range(NCH):
            pltpu.sync_copy(x_hbm.at[pl.ds(t0 + cc * WCH, WCH)], rows_v)
            pltpu.async_copy(rows_v, xs_hbm.at[idx_v.at[cc]], sem).wait()

    return bkern(x2d, dest3)


def _stage_gather_rows(os_hbm_arr, dest3):
    mesh = plsc.VectorSubcoreMesh(core_axis_name="c", subcore_axis_name="s")

    @functools.partial(
        pl.kernel, mesh=mesh,
        out_type=jax.ShapeDtypeStruct((PAIRS, DM), jnp.float32),
        scratch_types=[pltpu.VMEM((NCH, WCH), jnp.int32),
                       pltpu.VMEM((WCH, DM), jnp.float32),
                       pltpu.SemaphoreType.DMA])
    def dkern(os_hbm, d_hbm, rows_hbm, idx_v, rows_v, sem):
        wid = lax.axis_index("s") * 2 + lax.axis_index("c")
        pltpu.sync_copy(d_hbm.at[wid], idx_v)
        for cc in range(NCH):
            pltpu.async_copy(os_hbm.at[idx_v.at[cc]], rows_v, sem).wait()
            pltpu.sync_copy(rows_v, rows_hbm.at[pl.ds(wid * PER_W + cc * WCH, WCH)])

    return dkern(os_hbm_arr, dest3)


def _stage_router(x2d, router_w):
    return pl.pallas_call(
        _router_body,
        out_shape=[
            jax.ShapeDtypeStruct((PAIRS, 1), jnp.int32),
            jax.ShapeDtypeStruct((T, 2), jnp.float32),
            jax.ShapeDtypeStruct((MAXB_PAD, 1), jnp.int32),
            jax.ShapeDtypeStruct((MAXB_PAD, 1), jnp.int32),
            jax.ShapeDtypeStruct((MAXB_PAD, 1), jnp.int32),
            jax.ShapeDtypeStruct((1, 1), jnp.float32),
        ],
    )(x2d, router_w)


def _stage_experts(bexp1, blive1, bxs1, xs, Wg, Wu, Wd):
    grid_spec = pltpu.PrefetchScalarGridSpec(
        num_scalar_prefetch=3,
        grid=(MAXB,),
        in_specs=[
            pl.BlockSpec((BLK, DM), lambda b, be, bl, bx: (bx[b], 0)),
            pl.BlockSpec((1, HID, DM), lambda b, be, bl, bx: (be[b], 0, 0)),
            pl.BlockSpec((1, HID, DM), lambda b, be, bl, bx: (be[b], 0, 0)),
            pl.BlockSpec((1, DM, HID), lambda b, be, bl, bx: (be[b], 0, 0)),
        ],
        out_specs=pl.BlockSpec((BLK, DM), lambda b, be, bl, bx: (bx[b], 0)),
    )
    return pl.pallas_call(
        _expert_body,
        grid_spec=grid_spec,
        out_shape=jax.ShapeDtypeStruct((PMAX, DM), jnp.float32),
    )(bexp1, blive1, bxs1, xs, Wg, Wu, Wd)


def _stage_combine(wt, r1, r2):
    return pl.pallas_call(
        _combine_body,
        out_shape=jax.ShapeDtypeStruct((T, DM), jnp.float32),
    )(wt, r1, r2)


def kernel(x, router_w, Wg, Wu, We, Wd, alpha):
    x2d = x.reshape(T, DM)
    dest, wt, bexp, blive, bxs, lbl = _stage_router(x2d, router_w)
    dest3 = dest.reshape(NW, NCH, WCH)
    xs = _stage_scatter_x(x2d, dest3)
    os_ = _stage_experts(bexp.reshape(MAXB_PAD), blive.reshape(MAXB_PAD),
                         bxs.reshape(MAXB_PAD), xs, Wg, Wu, Wd)
    rows = _stage_gather_rows(os_, dest3)
    y = _stage_combine(wt, rows[:T], rows[T:])
    return y.reshape(1, T, DM), lbl.reshape(())

# --- scband reference (transcript-rebuilt; emitter-appended) ---
"""Pipeline reference for scband-mixture-of-experts-23957327577822 (READ-ONLY COPY).

The authoritative reference and input builder live on the scoring server;
editing this copy changes nothing except your own understanding.
"""

import jax, jax.numpy as jnp
import numpy as np

N_EMBD = 768
N_EXPERTS = 64
TOP_K = 2
# hidden_dim = round_up(int(8*768/3), 256) = 2048; expert_hidden = int(2048*0.25) = 512
EXPERT_HID = 512
LBL_WEIGHT = 0.01


def setup_inputs(seed: int = 0) -> dict:
    key = jax.random.key(seed)
    ks = jax.random.split(key, 7)
    x = jax.random.normal(ks[0], (1, 2048, N_EMBD), dtype=jnp.float32)
    router_w = jax.random.normal(ks[1], (N_EXPERTS, N_EMBD), dtype=jnp.float32) * 0.02
    Wg = jax.random.normal(ks[2], (N_EXPERTS, EXPERT_HID, N_EMBD), dtype=jnp.float32) * 0.02
    Wu = jax.random.normal(ks[3], (N_EXPERTS, EXPERT_HID, N_EMBD), dtype=jnp.float32) * 0.02
    We = jax.random.normal(ks[4], (N_EXPERTS, EXPERT_HID, N_EMBD), dtype=jnp.float32) * 0.02
    Wd = jax.random.normal(ks[5], (N_EXPERTS, N_EMBD, EXPERT_HID), dtype=jnp.float32) * 0.02
    alpha = jnp.ones((N_EXPERTS,), dtype=jnp.float32)
    return {"x": x, "router_w": router_w, "Wg": Wg, "Wu": Wu, "We": We, "Wd": Wd, "alpha": alpha}


def reference(x, router_w, Wg, Wu, We, Wd, alpha):
    B, S, D = x.shape
    n_experts = router_w.shape[0]
    x_flat = x.reshape(-1, D)
    router_logits = x_flat @ router_w.T
    router_probs = jax.nn.softmax(router_logits, axis=-1)
    top_k_probs, top_k_idx = jax.lax.top_k(router_probs, TOP_K)
    top_k_probs = top_k_probs / jnp.sum(top_k_probs, axis=-1, keepdims=True)
    output = jnp.zeros_like(x_flat)
    for e in range(n_experts):
        # per-token routing weight for this expert (exactly one matching top-k slot per routed token)
        w_all = jnp.where(top_k_idx == e, top_k_probs, 0.0).sum(axis=-1)
        gate = x_flat @ Wg[e].T
        up = x_flat @ Wu[e].T
        expand = x_flat @ We[e].T
        gate_act = jax.nn.silu(gate) * up
        expand_act = jax.nn.silu(expand) * up
        combined = alpha[e] * gate_act + (1.0 - alpha[e]) * expand_act
        expert_out = combined @ Wd[e].T
        output = output + expert_out * w_all[:, None]
    expert_usage = router_probs.mean(axis=0)
    target = 1.0 / N_EXPERTS
    lbl = LBL_WEIGHT * jnp.mean((expert_usage - target) ** 2)
    output = output.reshape(B, S, D)
    # dropout p=0.0 -> identity
    return output, lbl

if __name__ == "__main__":
    import jax
    _d = setup_inputs()
    print(jax.jit(kernel)(*tuple(_d.values())))

</pallas_src>

<mosaic_0001>
#map = affine_map<(d0, d1) -> (0, 0)>
#map1 = affine_map<(d0, d1) -> (0, 0, 0)>
module attributes {stable_mosaic.version = 14 : i64} {
  func.func @bkern(%arg0: i32, %arg1: i32, %arg2: memref<2048x768xf32, #tpu.memory_space<hbm>>, %arg3: memref<32x1x128xi32, #tpu.memory_space<hbm>>, %arg4: memref<12160x768xf32, #tpu.memory_space<hbm>>, %arg5: memref<1x128xi32, #tpu.memory_space<vmem>>, %arg6: memref<128x768xf32, #tpu.memory_space<vmem>>, %arg7: memref<!tpu.dma_semaphore, #tpu.memory_space<semaphore_mem>>) attributes {dimension_semantics = [#tpu.dimension_semantics<core_parallel>, #tpu.dimension_semantics<subcore_parallel>], iteration_bounds = array<i64: 2, 16>, scalar_prefetch = 0 : i64, scratch_operands = 3 : i64, tpu.core_type = #tpu.core_type<sc_vector_subcore>, window_params = [{transform_indices = #map}, {transform_indices = #map1}, {transform_indices = #map}]} {
    %mul3A = arith.constant 2 : i32
    %mul3A_0 = arith.muli %arg1, %mul3A : i32
    %add3A = arith.addi %mul3A_0, %arg0 : i32
    "tpu.region"() ({
      %run_scoped3A = tpu.sem_alloc : memref<!tpu.dma_semaphore, #tpu.memory_space<semaphore_mem>>
      %dma_start3A_26 = arith.constant 0 : i32
      %dma_start3A_27 = arith.constant 0 : i32
      %dma_start3A_28 = tpu.memref_slice %arg3[%add3A, %dma_start3A_26, %dma_start3A_27] : memref<32x1x128xi32, #tpu.memory_space<hbm>> -> memref<1x1x128xi32, #tpu.memory_space<hbm>>
      %dma_start3A_29 = tpu.memref_squeeze %dma_start3A_28 : memref<1x1x128xi32, #tpu.memory_space<hbm>> -> memref<1x128xi32, #tpu.memory_space<hbm>>
      %dma_start3A_30 = arith.constant 0 : i32
      %dma_start3A_31 = arith.constant 0 : i32
      %dma_start3A_32 = tpu.memref_slice %arg3[%add3A, %dma_start3A_30, %dma_start3A_31] : memref<32x1x128xi32, #tpu.memory_space<hbm>> -> memref<1x1x128xi32, #tpu.memory_space<hbm>>
      %dma_start3A_33 = tpu.memref_squeeze %dma_start3A_32 : memref<1x1x128xi32, #tpu.memory_space<hbm>> -> memref<1x128xi32, #tpu.memory_space<hbm>>
      tpu.enqueue_dma source(%dma_start3A_33 : memref<1x128xi32, #tpu.memory_space<hbm>>) target(%arg5 : memref<1x128xi32, #tpu.memory_space<vmem>>) target_semaphore(%run_scoped3A : memref<!tpu.dma_semaphore, #tpu.memory_space<semaphore_mem>>)
      %dma_wait3A_34 = arith.constant 0 : i32
      %dma_wait3A_35 = arith.constant 0 : i32
      %dma_wait3A_36 = tpu.memref_slice %arg3[%add3A, %dma_wait3A_34, %dma_wait3A_35] : memref<32x1x128xi32, #tpu.memory_space<hbm>> -> memref<1x1x128xi32, #tpu.memory_space<hbm>>
      %dma_wait3A_37 = tpu.memref_squeeze %dma_wait3A_36 : memref<1x1x128xi32, #tpu.memory_space<hbm>> -> memref<1x128xi32, #tpu.memory_space<hbm>>
      %dma_wait3A_38 = arith.constant 0 : i32
      %dma_wait3A_39 = arith.constant 0 : i32
      %dma_wait3A_40 = tpu.memref_slice %arg3[%add3A, %dma_wait3A_38, %dma_wait3A_39] : memref<32x1x128xi32, #tpu.memory_space<hbm>> -> memref<1x1x128xi32, #tpu.memory_space<hbm>>
      %dma_wait3A_41 = tpu.memref_squeeze %dma_wait3A_40 : memref<1x1x128xi32, #tpu.memory_space<hbm>> -> memref<1x128xi32, #tpu.memory_space<hbm>>
      tpu.wait_dma2 semaphore(%run_scoped3A : memref<!tpu.dma_semaphore, #tpu.memory_space<semaphore_mem>>) src(%dma_wait3A_41 : memref<1x128xi32, #tpu.memory_space<hbm>>) dst(%arg5 : memref<1x128xi32, #tpu.memory_space<vmem>>)
      tpu.yield
    }) : () -> ()
    %jit3A = arith.constant 16 : i32
    %eq3A = arith.constant 0 : i32
    %eq3A_1 = arith.cmpi eq, %jit3A, %eq3A : i32
    %jit3A_2 = arith.constant 1 : i32
    %select_n3A = arith.select %eq3A_1, %jit3A_2, %jit3A : i32
    %rem3A = arith.remsi %add3A, %select_n3A : i32
    %ne3A = arith.constant 0 : i32
    %ne3A_3 = arith.cmpi ne, %rem3A, %ne3A : i32
    %lt3A = arith.constant 0 : i32
    %lt3A_4 = arith.cmpi slt, %rem3A, %lt3A : i32
    %lt3A_5 = arith.constant 0 : i32
    %lt3A_6 = arith.cmpi slt, %select_n3A, %lt3A_5 : i32
    %ne3A_7 = arith.xori %lt3A_4, %lt3A_6 : i1
    %and3A = arith.andi %ne3A_7, %ne3A_3 : i1
    %add3A_8 = arith.addi %rem3A, %select_n3A : i32
    %select_n3A_9 = arith.select %and3A, %add3A_8, %rem3A : i32
    %mul3A_10 = arith.constant 128 : i32
    %mul3A_11 = arith.muli %select_n3A_9, %mul3A_10 : i32
    %add3A_12 = arith.constant 0 : i32
    %add3A_13 = arith.addi %mul3A_11, %add3A_12 : i32
    "tpu.region"() ({
      %run_scoped3A = tpu.sem_alloc : memref<!tpu.dma_semaphore, #tpu.memory_space<semaphore_mem>>
      %dma_start3A_26 = arith.constant 0 : i32
      %dma_start3A_27 = tpu.memref_slice %arg2[%add3A_13, %dma_start3A_26] : memref<2048x768xf32, #tpu.memory_space<hbm>> -> memref<128x768xf32, #tpu.memory_space<hbm>>
      %dma_start3A_28 = arith.constant 0 : i32
      %dma_start3A_29 = tpu.memref_slice %arg2[%add3A_13, %dma_start3A_28] : memref<2048x768xf32, #tpu.memory_space<hbm>> -> memref<128x768xf32, #tpu.memory_space<hbm>>
      tpu.enqueue_dma source(%dma_start3A_29 : memref<128x768xf32, #tpu.memory_space<hbm>>) target(%arg6 : memref<128x768xf32, #tpu.memory_space<vmem>>) target_semaphore(%run_scoped3A : memref<!tpu.dma_semaphore, #tpu.memory_space<semaphore_mem>>)
      %dma_wait3A_30 = arith.constant 0 : i32
      %dma_wait3A_31 = tpu.memref_slice %arg2[%add3A_13, %dma_wait3A_30] : memref<2048x768xf32, #tpu.memory_space<hbm>> -> memref<128x768xf32, #tpu.memory_space<hbm>>
      %dma_wait3A_32 = arith.constant 0 : i32
      %dma_wait3A_33 = tpu.memref_slice %arg2[%add3A_13, %dma_wait3A_32] : memref<2048x768xf32, #tpu.memory_space<hbm>> -> memref<128x768xf32, #tpu.memory_space<hbm>>
      tpu.wait_dma2 semaphore(%run_scoped3A : memref<!tpu.dma_semaphore, #tpu.memory_space<semaphore_mem>>) src(%dma_wait3A_33 : memref<128x768xf32, #tpu.memory_space<hbm>>) dst(%arg6 : memref<128x768xf32, #tpu.memory_space<vmem>>)
      tpu.yield
    }) : () -> ()
    %dma_start3A = arith.constant 0 : i32
    %dma_start3A_14 = arith.constant 0 : i32
    %dma_start3A_15 = tpu.memref_slice %arg5[%dma_start3A, %dma_start3A_14] : memref<1x128xi32, #tpu.memory_space<vmem>> -> memref<1x128xi32, #tpu.memory_space<vmem>>
    %dma_start3A_16 = tpu.memref_squeeze %dma_start3A_15 : memref<1x128xi32, #tpu.memory_space<vmem>> -> memref<128xi32, #tpu.memory_space<vmem>>
    %dma_start3A_17 = arith.constant 0 : i32
    %dma_start3A_18 = arith.constant 0 : i32
    %dma_start3A_19 = tpu.memref_slice %arg4[%dma_start3A_17, %dma_start3A_18] : memref<12160x768xf32, #tpu.memory_space<hbm>> -> memref<12160x768xf32, #tpu.memory_space<hbm>>
    tpu.enqueue_indirect_dma source(%arg6 : memref<128x768xf32, #tpu.memory_space<vmem>>) target(%dma_start3A_19 : memref<12160x768xf32, #tpu.memory_space<hbm>>) offsets(%dma_start3A_16 : memref<128xi32, #tpu.memory_space<vmem>>) semaphore(%arg7 : memref<!tpu.dma_semaphore, #tpu.memory_space<semaphore_mem>>)
    %dma_wait3A = arith.constant 0 : i32
    %dma_wait3A_20 = arith.constant 0 : i32
    %dma_wait3A_21 = tpu.memref_slice %arg5[%dma_wait3A, %dma_wait3A_20] : memref<1x128xi32, #tpu.memory_space<vmem>> -> memref<1x128xi32, #tpu.memory_space<vmem>>
    %dma_wait3A_22 = tpu.memref_squeeze %dma_wait3A_21 : memref<1x128xi32, #tpu.memory_space<vmem>> -> memref<128xi32, #tpu.memory_space<vmem>>
    %dma_wait3A_23 = arith.constant 0 : i32
    %dma_wait3A_24 = arith.constant 0 : i32
    %dma_wait3A_25 = tpu.memref_slice %arg4[%dma_wait3A_23, %dma_wait3A_24] : memref<12160x768xf32, #tpu.memory_space<hbm>> -> memref<12160x768xf32, #tpu.memory_space<hbm>>
    tpu.wait_indirect_dma semaphore(%arg7 : memref<!tpu.dma_semaphore, #tpu.memory_space<semaphore_mem>>) src(%arg6 : memref<128x768xf32, #tpu.memory_space<vmem>>) dst(%dma_wait3A_25 : memref<12160x768xf32, #tpu.memory_space<hbm>>)
    return
  }
}

#map = affine_map<(d0, d1) -> (0, 0)>
#map1 = affine_map<(d0, d1) -> (0, 0, 0)>
module attributes {stable_mosaic.version = 14 : i64} {
  func.func @dkern(%arg0: i32, %arg1: i32, %arg2: memref<12160x768xf32, #tpu.memory_space<hbm>>, %arg3: memref<32x1x128xi32, #tpu.memory_space<hbm>>, %arg4: memref<4096x768xf32, #tpu.memory_space<hbm>>, %arg5: memref<1x128xi32, #tpu.memory_space<vmem>>, %arg6: memref<128x768xf32, #tpu.memory_space<vmem>>, %arg7: memref<!tpu.dma_semaphore, #tpu.memory_space<semaphore_mem>>) attributes {dimension_semantics = [#tpu.dimension_semantics<core_parallel>, #tpu.dimension_semantics<subcore_parallel>], iteration_bounds = array<i64: 2, 16>, scalar_prefetch = 0 : i64, scratch_operands = 3 : i64, tpu.core_type = #tpu.core_type<sc_vector_subcore>, window_params = [{transform_indices = #map}, {transform_indices = #map1}, {transform_indices = #map}]} {
    %mul3A = arith.constant 2 : i32
    %mul3A_0 = arith.muli %arg1, %mul3A : i32
    %add3A = arith.addi %mul3A_0, %arg0 : i32
    "tpu.region"() ({
      %run_scoped3A = tpu.sem_alloc : memref<!tpu.dma_semaphore, #tpu.memory_space<semaphore_mem>>
      %dma_start3A_17 = arith.constant 0 : i32
      %dma_start3A_18 = arith.constant 0 : i32
      %dma_start3A_19 = tpu.memref_slice %arg3[%add3A, %dma_start3A_17, %dma_start3A_18] : memref<32x1x128xi32, #tpu.memory_space<hbm>> -> memref<1x1x128xi32, #tpu.memory_space<hbm>>
      %dma_start3A_20 = tpu.memref_squeeze %dma_start3A_19 : memref<1x1x128xi32, #tpu.memory_space<hbm>> -> memref<1x128xi32, #tpu.memory_space<hbm>>
      %dma_start3A_21 = arith.constant 0 : i32
      %dma_start3A_22 = arith.constant 0 : i32
      %dma_start3A_23 = tpu.memref_slice %arg3[%add3A, %dma_start3A_21, %dma_start3A_22] : memref<32x1x128xi32, #tpu.memory_space<hbm>> -> memref<1x1x128xi32, #tpu.memory_space<hbm>>
      %dma_start3A_24 = tpu.memref_squeeze %dma_start3A_23 : memref<1x1x128xi32, #tpu.memory_space<hbm>> -> memref<1x128xi32, #tpu.memory_space<hbm>>
      tpu.enqueue_dma source(%dma_start3A_24 : memref<1x128xi32, #tpu.memory_space<hbm>>) target(%arg5 : memref<1x128xi32, #tpu.memory_space<vmem>>) target_semaphore(%run_scoped3A : memref<!tpu.dma_semaphore, #tpu.memory_space<semaphore_mem>>)
      %dma_wait3A_25 = arith.constant 0 : i32
      %dma_wait3A_26 = arith.constant 0 : i32
      %dma_wait3A_27 = tpu.memref_slice %arg3[%add3A, %dma_wait3A_25, %dma_wait3A_26] : memref<32x1x128xi32, #tpu.memory_space<hbm>> -> memref<1x1x128xi32, #tpu.memory_space<hbm>>
      %dma_wait3A_28 = tpu.memref_squeeze %dma_wait3A_27 : memref<1x1x128xi32, #tpu.memory_space<hbm>> -> memref<1x128xi32, #tpu.memory_space<hbm>>
      %dma_wait3A_29 = arith.constant 0 : i32
      %dma_wait3A_30 = arith.constant 0 : i32
      %dma_wait3A_31 = tpu.memref_slice %arg3[%add3A, %dma_wait3A_29, %dma_wait3A_30] : memref<32x1x128xi32, #tpu.memory_space<hbm>> -> memref<1x1x128xi32, #tpu.memory_space<hbm>>
      %dma_wait3A_32 = tpu.memref_squeeze %dma_wait3A_31 : memref<1x1x128xi32, #tpu.memory_space<hbm>> -> memref<1x128xi32, #tpu.memory_space<hbm>>
      tpu.wait_dma2 semaphore(%run_scoped3A : memref<!tpu.dma_semaphore, #tpu.memory_space<semaphore_mem>>) src(%dma_wait3A_32 : memref<1x128xi32, #tpu.memory_space<hbm>>) dst(%arg5 : memref<1x128xi32, #tpu.memory_space<vmem>>)
      tpu.yield
    }) : () -> ()
    %dma_start3A = arith.constant 0 : i32
    %dma_start3A_1 = arith.constant 0 : i32
    %dma_start3A_2 = tpu.memref_slice %arg5[%dma_start3A, %dma_start3A_1] : memref<1x128xi32, #tpu.memory_space<vmem>> -> memref<1x128xi32, #tpu.memory_space<vmem>>
    %dma_start3A_3 = tpu.memref_squeeze %dma_start3A_2 : memref<1x128xi32, #tpu.memory_space<vmem>> -> memref<128xi32, #tpu.memory_space<vmem>>
    %dma_start3A_4 = arith.constant 0 : i32
    %dma_start3A_5 = arith.constant 0 : i32
    %dma_start3A_6 = tpu.memref_slice %arg2[%dma_start3A_4, %dma_start3A_5] : memref<12160x768xf32, #tpu.memory_space<hbm>> -> memref<12160x768xf32, #tpu.memory_space<hbm>>
    tpu.enqueue_indirect_dma source(%dma_start3A_6 : memref<12160x768xf32, #tpu.memory_space<hbm>>) target(%arg6 : memref<128x768xf32, #tpu.memory_space<vmem>>) offsets(%dma_start3A_3 : memref<128xi32, #tpu.memory_space<vmem>>) semaphore(%arg7 : memref<!tpu.dma_semaphore, #tpu.memory_space<semaphore_mem>>)
    %dma_wait3A = arith.constant 0 : i32
    %dma_wait3A_7 = arith.constant 0 : i32
    %dma_wait3A_8 = tpu.memref_slice %arg5[%dma_wait3A, %dma_wait3A_7] : memref<1x128xi32, #tpu.memory_space<vmem>> -> memref<1x128xi32, #tpu.memory_space<vmem>>
    %dma_wait3A_9 = tpu.memref_squeeze %dma_wait3A_8 : memref<1x128xi32, #tpu.memory_space<vmem>> -> memref<128xi32, #tpu.memory_space<vmem>>
    %dma_wait3A_10 = arith.constant 0 : i32
    %dma_wait3A_11 = arith.constant 0 : i32
    %dma_wait3A_12 = tpu.memref_slice %arg2[%dma_wait3A_10, %dma_wait3A_11] : memref<12160x768xf32, #tpu.memory_space<hbm>> -> memref<12160x768xf32, #tpu.memory_space<hbm>>
    tpu.wait_indirect_dma semaphore(%arg7 : memref<!tpu.dma_semaphore, #tpu.memory_space<semaphore_mem>>) src(%dma_wait3A_12 : memref<12160x768xf32, #tpu.memory_space<hbm>>) dst(%arg6 : memref<128x768xf32, #tpu.memory_space<vmem>>)
    %mul3A_13 = arith.constant 128 : i32
    %mul3A_14 = arith.muli %add3A, %mul3A_13 : i32
    %add3A_15 = arith.constant 0 : i32
    %add3A_16 = arith.addi %mul3A_14, %add3A_15 : i32
    "tpu.region"() ({
      %run_scoped3A = tpu.sem_alloc : memref<!tpu.dma_semaphore, #tpu.memory_space<semaphore_mem>>
      %dma_start3A_17 = arith.constant 0 : i32
      %dma_start3A_18 = tpu.memref_slice %arg4[%add3A_16, %dma_start3A_17] : memref<4096x768xf32, #tpu.memory_space<hbm>> -> memref<128x768xf32, #tpu.memory_space<hbm>>
      %dma_start3A_19 = arith.constant 0 : i32
      %dma_start3A_20 = tpu.memref_slice %arg4[%add3A_16, %dma_start3A_19] : memref<4096x768xf32, #tpu.memory_space<hbm>> -> memref<128x768xf32, #tpu.memory_space<hbm>>
      tpu.enqueue_dma source(%arg6 : memref<128x768xf32, #tpu.memory_space<vmem>>) target(%dma_start3A_20 : memref<128x768xf32, #tpu.memory_space<hbm>>) target_semaphore(%run_scoped3A : memref<!tpu.dma_semaphore, #tpu.memory_space<semaphore_mem>>)
      %dma_wait3A_21 = arith.constant 0 : i32
      %dma_wait3A_22 = tpu.memref_slice %arg4[%add3A_16, %dma_wait3A_21] : memref<4096x768xf32, #tpu.memory_space<hbm>> -> memref<128x768xf32, #tpu.memory_space<hbm>>
      %dma_wait3A_23 = arith.constant 0 : i32
      %dma_wait3A_24 = tpu.memref_slice %arg4[%add3A_16, %dma_wait3A_23] : memref<4096x768xf32, #tpu.memory_space<hbm>> -> memref<128x768xf32, #tpu.memory_space<hbm>>
      tpu.wait_dma2 semaphore(%run_scoped3A : memref<!tpu.dma_semaphore, #tpu.memory_space<semaphore_mem>>) src(%arg6 : memref<128x768xf32, #tpu.memory_space<vmem>>) dst(%dma_wait3A_24 : memref<128x768xf32, #tpu.memory_space<hbm>>)
      tpu.yield
    }) : () -> ()
    return
  }
}

module attributes {stable_mosaic.version = 14 : i64} {
  func.func @_router_body(%arg0: memref<2048x768xf32, #tpu.memory_space<vmem>>, %arg1: memref<64x768xf32, #tpu.memory_space<vmem>>, %arg2: memref<4096x1xi32, #tpu.memory_space<vmem>>, %arg3: memref<2048x2xf32, #tpu.memory_space<vmem>>, %arg4: memref<96x1xi32, #tpu.memory_space<vmem>>, %arg5: memref<96x1xi32, #tpu.memory_space<vmem>>, %arg6: memref<96x1xi32, #tpu.memory_space<vmem>>, %arg7: memref<1x1xf32, #tpu.memory_space<vmem>>) attributes {dimension_semantics = [], scalar_prefetch = 0 : i64, scratch_operands = 0 : i64, tpu.core_type = #tpu.core_type<tc>} {
    %get3A = arith.constant 0 : index
    %get3A_0 = arith.constant 0 : index
    %get3A_1 = vector.load %arg0[%get3A, %get3A_0] : memref<2048x768xf32, #tpu.memory_space<vmem>>, vector<2048x768xf32>
    %get3A_2 = arith.constant 0 : index
    %get3A_3 = arith.constant 0 : index
    %get3A_4 = vector.load %arg1[%get3A_2, %get3A_3] : memref<64x768xf32, #tpu.memory_space<vmem>>, vector<64x768xf32>
    %dot_general3A = arith.constant dense<0.000000e+00> : vector<2048x64xf32>
    %dot_general3A_5 = tpu.matmul %get3A_1, %get3A_4, %dot_general3A {dimension_numbers = #tpu.dot_dimension_numbers<[1], [1], [0], [0], [0, 0, 1, 0], [], []>, transpose_lhs_hint = false} : vector<2048x768xf32>, vector<64x768xf32>, vector<2048x64xf32> -> vector<2048x64xf32>
    %reduce_max3A = arith.constant dense<0xFF800000> : vector<2048xf32>
    %reduce_max3A_6 = vector.multi_reduction <maximumf>, %dot_general3A_5, %reduce_max3A [1] : vector<2048x64xf32> to vector<2048xf32>
    %broadcast_in_dim3A = vector.shape_cast %reduce_max3A_6 : vector<2048xf32> to vector<2048x1xf32>
    %sub3A = vector.broadcast %broadcast_in_dim3A : vector<2048x1xf32> to vector<2048x64xf32>
    %sub3A_7 = arith.subf %dot_general3A_5, %sub3A : vector<2048x64xf32>
    %exp3A = math.exp %sub3A_7 : vector<2048x64xf32>
    %reduce_sum3A = arith.constant dense<0.000000e+00> : vector<2048xf32>
    %reduce_sum3A_8 = vector.multi_reduction <add>, %exp3A, %reduce_sum3A [1] : vector<2048x64xf32> to vector<2048xf32>
    %broadcast_in_dim3A_9 = vector.shape_cast %reduce_sum3A_8 : vector<2048xf32> to vector<2048x1xf32>
    %div3A = vector.broadcast %broadcast_in_dim3A_9 : vector<2048x1xf32> to vector<2048x64xf32>
    %div3A_10 = arith.divf %exp3A, %div3A : vector<2048x64xf32>
    %reduce_sum3A_11 = arith.constant dense<0.000000e+00> : vector<64xf32>
    %reduce_sum3A_12 = vector.multi_reduction <add>, %div3A_10, %reduce_sum3A_11 [0] : vector<2048x64xf32> to vector<64xf32>
    %broadcast_in_dim3A_13 = vector.shape_cast %reduce_sum3A_12 : vector<64xf32> to vector<1x64xf32>
    %div3A_14 = arith.constant 2.048000e+03 : f32
    %div3A_15 = vector.broadcast %div3A_14 : f32 to vector<1x64xf32>
    %div3A_16 = arith.divf %broadcast_in_dim3A_13, %div3A_15 : vector<1x64xf32>
    %sub3A_17 = arith.constant 1.562500e-02 : f32
    %sub3A_18 = vector.broadcast %sub3A_17 : f32 to vector<1x64xf32>
    %sub3A_19 = arith.subf %div3A_16, %sub3A_18 : vector<1x64xf32>
    %integer_pow3A = arith.mulf %sub3A_19, %sub3A_19 : vector<1x64xf32>
    %reduce_sum3A_20 = arith.constant dense<0.000000e+00> : vector<1xf32>
    %reduce_sum3A_21 = vector.multi_reduction <add>, %integer_pow3A, %reduce_sum3A_20 [1] : vector<1x64xf32> to vector<1xf32>
    %broadcast_in_dim3A_22 = vector.shape_cast %reduce_sum3A_21 : vector<1xf32> to vector<1x1xf32>
    %div3A_23 = arith.constant 6.400000e+01 : f32
    %div3A_24 = vector.broadcast %div3A_23 : f32 to vector<1x1xf32>
    %div3A_25 = arith.divf %broadcast_in_dim3A_22, %div3A_24 : vector<1x1xf32>
    %mul3A = arith.constant 0.00999999977 : f32
    %mul3A_26 = vector.broadcast %mul3A : f32 to vector<1x1xf32>
    %mul3A_27 = arith.mulf %mul3A_26, %div3A_25 : vector<1x1xf32>
    %swap3A = arith.constant 0 : index
    %swap3A_28 = arith.constant 0 : index
    %swap3A_29 = vector.load %arg7[%swap3A, %swap3A_28] : memref<1x1xf32, #tpu.memory_space<vmem>>, vector<1x1xf32>
    tpu.vector_store %arg7[%swap3A, %swap3A_28], %mul3A_27 {strides = array<i32>} : memref<1x1xf32, #tpu.memory_space<vmem>>, vector<1x1xf32>,
    %iota3A = tpu.iota {dimensions = array<i32: 1>} : vector<2048x64xi32>
    %reduce_max3A_30 = arith.constant dense<0xFF800000> : vector<2048xf32>
    %reduce_max3A_31 = vector.multi_reduction <maximumf>, %div3A_10, %reduce_max3A_30 [1] : vector<2048x64xf32> to vector<2048xf32>
    %broadcast_in_dim3A_32 = vector.shape_cast %reduce_max3A_31 : vector<2048xf32> to vector<2048x1xf32>
    %eq3A = vector.broadcast %broadcast_in_dim3A_32 : vector<2048x1xf32> to vector<2048x64xf32>
    %eq3A_33 = arith.cmpf oeq, %div3A_10, %eq3A : vector<2048x64xf32>
    %jit3A = arith.constant 64 : i32
    %broadcast_in_dim3A_34 = vector.broadcast %jit3A : i32 to vector<2048x64xi32>
    %select_n3A = arith.select %eq3A_33, %iota3A, %broadcast_in_dim3A_34 : vector<2048x64xi1>, vector<2048x64xi32>
    %reduce_min3A = arith.constant dense<2147483647> : vector<2048xi32>
    %reduce_min3A_35 = vector.multi_reduction <minsi>, %select_n3A, %reduce_min3A [1] : vector<2048x64xi32> to vector<2048xi32>
    %broadcast_in_dim3A_36 = vector.shape_cast %reduce_min3A_35 : vector<2048xi32> to vector<2048x1xi32>
    %eq3A_37 = vector.broadcast %broadcast_in_dim3A_36 : vector<2048x1xi32> to vector<2048x64xi32>
    %eq3A_38 = arith.cmpi eq, %iota3A, %eq3A_37 : vector<2048x64xi32>
    %jit3A_39 = arith.constant -1.000000e+00 : f32
    %broadcast_in_dim3A_40 = vector.broadcast %jit3A_39 : f32 to vector<2048x64xf32>
    %select_n3A_41 = arith.select %eq3A_38, %broadcast_in_dim3A_40, %div3A_10 : vector<2048x64xi1>, vector<2048x64xf32>
    %reduce_max3A_42 = arith.constant dense<0xFF800000> : vector<2048xf32>
    %reduce_max3A_43 = vector.multi_reduction <maximumf>, %select_n3A_41, %reduce_max3A_42 [1] : vector<2048x64xf32> to vector<2048xf32>
    %broadcast_in_dim3A_44 = vector.shape_cast %reduce_max3A_43 : vector<2048xf32> to vector<2048x1xf32>
    %eq3A_45 = vector.broadcast %broadcast_in_dim3A_44 : vector<2048x1xf32> to vector<2048x64xf32>
    %eq3A_46 = arith.cmpf oeq, %select_n3A_41, %eq3A_45 : vector<2048x64xf32>
    %jit3A_47 = arith.constant 64 : i32
    %broadcast_in_dim3A_48 = vector.broadcast %jit3A_47 : i32 to vector<2048x64xi32>
    %select_n3A_49 = arith.select %eq3A_46, %iota3A, %broadcast_in_dim3A_48 : vector<2048x64xi1>, vector<2048x64xi32>
    %reduce_min3A_50 = arith.constant dense<2147483647> : vector<2048xi32>
    %reduce_min3A_51 = vector.multi_reduction <minsi>, %select_n3A_49, %reduce_min3A_50 [1] : vector<2048x64xi32> to vector<2048xi32>
    %broadcast_in_dim3A_52 = vector.shape_cast %reduce_min3A_51 : vector<2048xi32> to vector<2048x1xi32>
    %add3A = arith.addf %broadcast_in_dim3A_32, %broadcast_in_dim3A_44 : vector<2048x1xf32>
    %div3A_53 = arith.divf %broadcast_in_dim3A_32, %add3A : vector<2048x1xf32>
    %div3A_54 = arith.divf %broadcast_in_dim3A_44, %add3A : vector<2048x1xf32>
    %concatenate3A = tpu.concatenate %div3A_53, %div3A_54 in 1 : vector<2048x1xf32>, vector<2048x1xf32> -> vector<2048x2xf32>
    %swap3A_55 = arith.constant 0 : index
    %swap3A_56 = arith.constant 0 : index
    %swap3A_57 = vector.load %arg3[%swap3A_55, %swap3A_56] : memref<2048x2xf32, #tpu.memory_space<vmem>>, vector<2048x2xf32>
    tpu.vector_store %arg3[%swap3A_55, %swap3A_56], %concatenate3A {strides = array<i32>} : memref<2048x2xf32, #tpu.memory_space<vmem>>, vector<2048x2xf32>,
    %concatenate3A_58 = tpu.concatenate %broadcast_in_dim3A_36, %broadcast_in_dim3A_52 in 0 : vector<2048x1xi32>, vector<2048x1xi32> -> vector<4096x1xi32>
    %iota3A_59 = tpu.iota {dimensions = array<i32: 1>} : vector<4096x64xi32>
    %eq3A_60 = vector.broadcast %concatenate3A_58 : vector<4096x1xi32> to vector<4096x64xi32>
    %eq3A_61 = arith.cmpi eq, %eq3A_60, %iota3A_59 : vector<4096x64xi32>
    %convert_element_type3A = arith.extui %eq3A_61 : vector<4096x64xi1> to vector<4096x64xi32>
    %convert_element_type3A_62 = arith.sitofp %convert_element_type3A : vector<4096x64xi32> to vector<4096x64xf32>
    %iota3A_63 = tpu.iota {dimensions = array<i32: 0>} : vector<256x256xi32>
    %iota3A_64 = tpu.iota {dimensions = array<i32: 1>} : vector<256x256xi32>
    %gt3A = arith.cmpi sgt, %iota3A_63, %iota3A_64 : vector<256x256xi32>
    %convert_element_type3A_65 = arith.extui %gt3A : vector<256x256xi1> to vector<256x256xi32>
    %convert_element_type3A_66 = arith.sitofp %convert_element_type3A_65 : vector<256x256xi32> to vector<256x256xf32>
    %broadcast_in_dim3A_67 = arith.constant 0.000000e+00 : f32
    %broadcast_in_dim3A_68 = vector.broadcast %broadcast_in_dim3A_67 : f32 to vector<1x64xf32>
    %slice3A = vector.extract_strided_slice %convert_element_type3A_62 {offsets = [0, 0], sizes = [256, 64], strides = [1, 1]} : vector<4096x64xf32> to vector<256x64xf32>
    %dot_general3A_69 = arith.constant dense<0.000000e+00> : vector<256x64xf32>
    %dot_general3A_70 = tpu.matmul %convert_element_type3A_66, %slice3A, %dot_general3A_69 {dimension_numbers = #tpu.dot_dimension_numbers<[1], [0], [0], [1], [0, 0, 1, 1], [], []>, transpose_lhs_hint = false} : vector<256x256xf32>, vector<256x64xf32>, vector<256x64xf32> -> vector<256x64xf32>
    %add3A_71 = vector.broadcast %broadcast_in_dim3A_68 : vector<1x64xf32> to vector<256x64xf32>
    %add3A_72 = arith.addf %dot_general3A_70, %add3A_71 : vector<256x64xf32>
    %mul3A_73 = arith.mulf %add3A_72, %slice3A : vector<256x64xf32>
    %reduce_sum3A_74 = arith.constant dense<0.000000e+00> : vector<256xf32>
    %reduce_sum3A_75 = vector.multi_reduction <add>, %mul3A_73, %reduce_sum3A_74 [1] : vector<256x64xf32> to vector<256xf32>
    %broadcast_in_dim3A_76 = vector.shape_cast %reduce_sum3A_75 : vector<256xf32> to vector<256x1xf32>
    %reduce_sum3A_77 = arith.constant dense<0.000000e+00> : vector<64xf32>
    %reduce_sum3A_78 = vector.multi_reduction <add>, %slice3A, %reduce_sum3A_77 [0] : vector<256x64xf32> to vector<64xf32>
    %broadcast_in_dim3A_79 = vector.shape_cast %reduce_sum3A_78 : vector<64xf32> to vector<1x64xf32>
    %add3A_80 = arith.addf %broadcast_in_dim3A_68, %broadcast_in_dim3A_79 : vector<1x64xf32>
    %slice3A_81 = vector.extract_strided_slice %convert_element_type3A_62 {offsets = [256, 0], sizes = [256, 64], strides = [1, 1]} : vector<4096x64xf32> to vector<256x64xf32>
    %dot_general3A_82 = arith.constant dense<0.000000e+00> : vector<256x64xf32>
    %dot_general3A_83 = tpu.matmul %convert_element_type3A_66, %slice3A_81, %dot_general3A_82 {dimension_numbers = #tpu.dot_dimension_numbers<[1], [0], [0], [1], [0, 0, 1, 1], [], []>, transpose_lhs_hint = false} : vector<256x256xf32>, vector<256x64xf32>, vector<256x64xf32> -> vector<256x64xf32>
    %add3A_84 = vector.broadcast %add3A_80 : vector<1x64xf32> to vector<256x64xf32>
    %add3A_85 = arith.addf %dot_general3A_83, %add3A_84 : vector<256x64xf32>
    %mul3A_86 = arith.mulf %add3A_85, %slice3A_81 : vector<256x64xf32>
    %reduce_sum3A_87 = arith.constant dense<0.000000e+00> : vector<256xf32>
    %reduce_sum3A_88 = vector.multi_reduction <add>, %mul3A_86, %reduce_sum3A_87 [1] : vector<256x64xf32> to vector<256xf32>
    %broadcast_in_dim3A_89 = vector.shape_cast %reduce_sum3A_88 : vector<256xf32> to vector<256x1xf32>
    %reduce_sum3A_90 = arith.constant dense<0.000000e+00> : vector<64xf32>
    %reduce_sum3A_91 = vector.multi_reduction <add>, %slice3A_81, %reduce_sum3A_90 [0] : vector<256x64xf32> to vector<64xf32>
    %broadcast_in_dim3A_92 = vector.shape_cast %reduce_sum3A_91 : vector<64xf32> to vector<1x64xf32>
    %add3A_93 = arith.addf %add3A_80, %broadcast_in_dim3A_92 : vector<1x64xf32>
    %slice3A_94 = vector.extract_strided_slice %convert_element_type3A_62 {offsets = [512, 0], sizes = [256, 64], strides = [1, 1]} : vector<4096x64xf32> to vector<256x64xf32>
    %dot_general3A_95 = arith.constant dense<0.000000e+00> : vector<256x64xf32>
    %dot_general3A_96 = tpu.matmul %convert_element_type3A_66, %slice3A_94, %dot_general3A_95 {dimension_numbers = #tpu.dot_dimension_numbers<[1], [0], [0], [1], [0, 0, 1, 1], [], []>, transpose_lhs_hint = false} : vector<256x256xf32>, vector<256x64xf32>, vector<256x64xf32> -> vector<256x64xf32>
    %add3A_97 = vector.broadcast %add3A_93 : vector<1x64xf32> to vector<256x64xf32>
    %add3A_98 = arith.addf %dot_general3A_96, %add3A_97 : vector<256x64xf32>
    %mul3A_99 = arith.mulf %add3A_98, %slice3A_94 : vector<256x64xf32>
    %reduce_sum3A_100 = arith.constant dense<0.000000e+00> : vector<256xf32>
    %reduce_sum3A_101 = vector.multi_reduction <add>, %mul3A_99, %reduce_sum3A_100 [1] : vector<256x64xf32> to vector<256xf32>
    %broadcast_in_dim3A_102 = vector.shape_cast %reduce_sum3A_101 : vector<256xf32> to vector<256x1xf32>
    %reduce_sum3A_103 = arith.constant dense<0.000000e+00> : vector<64xf32>
    %reduce_sum3A_104 = vector.multi_reduction <add>, %slice3A_94, %reduce_sum3A_103 [0] : vector<256x64xf32> to vector<64xf32>
    %broadcast_in_dim3A_105 = vector.shape_cast %reduce_sum3A_104 : vector<64xf32> to vector<1x64xf32>
    %add3A_106 = arith.addf %add3A_93, %broadcast_in_dim3A_105 : vector<1x64xf32>
    %slice3A_107 = vector.extract_strided_slice %convert_element_type3A_62 {offsets = [768, 0], sizes = [256, 64], strides = [1, 1]} : vector<4096x64xf32> to vector<256x64xf32>
    %dot_general3A_108 = arith.constant dense<0.000000e+00> : vector<256x64xf32>
    %dot_general3A_109 = tpu.matmul %convert_element_type3A_66, %slice3A_107, %dot_general3A_108 {dimension_numbers = #tpu.dot_dimension_numbers<[1], [0], [0], [1], [0, 0, 1, 1], [], []>, transpose_lhs_hint = false} : vector<256x256xf32>, vector<256x64xf32>, vector<256x64xf32> -> vector<256x64xf32>
    %add3A_110 = vector.broadcast %add3A_106 : vector<1x64xf32> to vector<256x64xf32>
    %add3A_111 = arith.addf %dot_general3A_109, %add3A_110 : vector<256x64xf32>
    %mul3A_112 = arith.mulf %add3A_111, %slice3A_107 : vector<256x64xf32>
    %reduce_sum3A_113 = arith.constant dense<0.000000e+00> : vector<256xf32>
    %reduce_sum3A_114 = vector.multi_reduction <add>, %mul3A_112, %reduce_sum3A_113 [1] : vector<256x64xf32> to vector<256xf32>
    %broadcast_in_dim3A_115 = vector.shape_cast %reduce_sum3A_114 : vector<256xf32> to vector<256x1xf32>
    %reduce_sum3A_116 = arith.constant dense<0.000000e+00> : vector<64xf32>
    %reduce_sum3A_117 = vector.multi_reduction <add>, %slice3A_107, %reduce_sum3A_116 [0] : vector<256x64xf32> to vector<64xf32>
    %broadcast_in_dim3A_118 = vector.shape_cast %reduce_sum3A_117 : vector<64xf32> to vector<1x64xf32>
    %add3A_119 = arith.addf %add3A_106, %broadcast_in_dim3A_118 : vector<1x64xf32>
    %slice3A_120 = vector.extract_strided_slice %convert_element_type3A_62 {offsets = [1024, 0], sizes = [256, 64], strides = [1, 1]} : vector<4096x64xf32> to vector<256x64xf32>
    %dot_general3A_121 = arith.constant dense<0.000000e+00> : vector<256x64xf32>
    %dot_general3A_122 = tpu.matmul %convert_element_type3A_66, %slice3A_120, %dot_general3A_121 {dimension_numbers = #tpu.dot_dimension_numbers<[1], [0], [0], [1], [0, 0, 1, 1], [], []>, transpose_lhs_hint = false} : vector<256x256xf32>, vector<256x64xf32>, vector<256x64xf32> -> vector<256x64xf32>
    %add3A_123 = vector.broadcast %add3A_119 : vector<1x64xf32> to vector<256x64xf32>
    %add3A_124 = arith.addf %dot_general3A_122, %add3A_123 : vector<256x64xf32>
    %mul3A_125 = arith.mulf %add3A_124, %slice3A_120 : vector<256x64xf32>
    %reduce_sum3A_126 = arith.constant dense<0.000000e+00> : vector<256xf32>
    %reduce_sum3A_127 = vector.multi_reduction <add>, %mul3A_125, %reduce_sum3A_126 [1] : vector<256x64xf32> to vector<256xf32>
    %broadcast_in_dim3A_128 = vector.shape_cast %reduce_sum3A_127 : vector<256xf32> to vector<256x1xf32>
    %reduce_sum3A_129 = arith.constant dense<0.000000e+00> : vector<64xf32>
    %reduce_sum3A_130 = vector.multi_reduction <add>, %slice3A_120, %reduce_sum3A_129 [0] : vector<256x64xf32> to vector<64xf32>
    %broadcast_in_dim3A_131 = vector.shape_cast %reduce_sum3A_130 : vector<64xf32> to vector<1x64xf32>
    %add3A_132 = arith.addf %add3A_119, %broadcast_in_dim3A_131 : vector<1x64xf32>
    %slice3A_133 = vector.extract_strided_slice %convert_element_type3A_62 {offsets = [1280, 0], sizes = [256, 64], strides = [1, 1]} : vector<4096x64xf32> to vector<256x64xf32>
    %dot_general3A_134 = arith.constant dense<0.000000e+00> : vector<256x64xf32>
    %dot_general3A_135 = tpu.matmul %convert_element_type3A_66, %slice3A_133, %dot_general3A_134 {dimension_numbers = #tpu.dot_dimension_numbers<[1], [0], [0], [1], [0, 0, 1, 1], [], []>, transpose_lhs_hint = false} : vector<256x256xf32>, vector<256x64xf32>, vector<256x64xf32> -> vector<256x64xf32>
    %add3A_136 = vector.broadcast %add3A_132 : vector<1x64xf32> to vector<256x64xf32>
    %add3A_137 = arith.addf %dot_general3A_135, %add3A_136 : vector<256x64xf32>
    %mul3A_138 = arith.mulf %add3A_137, %slice3A_133 : vector<256x64xf32>
    %reduce_sum3A_139 = arith.constant dense<0.000000e+00> : vector<256xf32>
    %reduce_sum3A_140 = vector.multi_reduction <add>, %mul3A_138, %reduce_sum3A_139 [1] : vector<256x64xf32> to vector<256xf32>
    %broadcast_in_dim3A_141 = vector.shape_cast %reduce_sum3A_140 : vector<256xf32> to vector<256x1xf32>
    %reduce_sum3A_142 = arith.constant dense<0.000000e+00> : vector<64xf32>
    %reduce_sum3A_143 = vector.multi_reduction <add>, %slice3A_133, %reduce_sum3A_142 [0] : vector<256x64xf32> to vector<64xf32>
    %broadcast_in_dim3A_144 = vector.shape_cast %reduce_sum3A_143 : vector<64xf32> to vector<1x64xf32>
    %add3A_145 = arith.addf %add3A_132, %broadcast_in_dim3A_144 : vector<1x64xf32>
    %slice3A_146 = vector.extract_strided_slice %convert_element_type3A_62 {offsets = [1536, 0], sizes = [256, 64], strides = [1, 1]} : vector<4096x64xf32> to vector<256x64xf32>
    %dot_general3A_147 = arith.constant dense<0.000000e+00> : vector<256x64xf32>
    %dot_general3A_148 = tpu.matmul %convert_element_type3A_66, %slice3A_146, %dot_general3A_147 {dimension_numbers = #tpu.dot_dimension_numbers<[1], [0], [0], [1], [0, 0, 1, 1], [], []>, transpose_lhs_hint = false} : vector<256x256xf32>, vector<256x64xf32>, vector<256x64xf32> -> vector<256x64xf32>
    %add3A_149 = vector.broadcast %add3A_145 : vector<1x64xf32> to vector<256x64xf32>
    %add3A_150 = arith.addf %dot_general3A_148, %add3A_149 : vector<256x64xf32>
    %mul3A_151 = arith.mulf %add3A_150, %slice3A_146 : vector<256x64xf32>
    %reduce_sum3A_152 = arith.constant dense<0.000000e+00> : vector<256xf32>
    %reduce_sum3A_153 = vector.multi_reduction <add>, %mul3A_151, %reduce_sum3A_152 [1] : vector<256x64xf32> to vector<256xf32>
    %broadcast_in_dim3A_154 = vector.shape_cast %reduce_sum3A_153 : vector<256xf32> to vector<256x1xf32>
    %reduce_sum3A_155 = arith.constant dense<0.000000e+00> : vector<64xf32>
    %reduce_sum3A_156 = vector.multi_reduction <add>, %slice3A_146, %reduce_sum3A_155 [0] : vector<256x64xf32> to vector<64xf32>
    %broadcast_in_dim3A_157 = vector.shape_cast %reduce_sum3A_156 : vector<64xf32> to vector<1x64xf32>
    %add3A_158 = arith.addf %add3A_145, %broadcast_in_dim3A_157 : vector<1x64xf32>
    %slice3A_159 = vector.extract_strided_slice %convert_element_type3A_62 {offsets = [1792, 0], sizes = [256, 64], strides = [1, 1]} : vector<4096x64xf32> to vector<256x64xf32>
    %dot_general3A_160 = arith.constant dense<0.000000e+00> : vector<256x64xf32>
    %dot_general3A_161 = tpu.matmul %convert_element_type3A_66, %slice3A_159, %dot_general3A_160 {dimension_numbers = #tpu.dot_dimension_numbers<[1], [0], [0], [1], [0, 0, 1, 1], [], []>, transpose_lhs_hint = false} : vector<256x256xf32>, vector<256x64xf32>, vector<256x64xf32> -> vector<256x64xf32>
    %add3A_162 = vector.broadcast %add3A_158 : vector<1x64xf32> to vector<256x64xf32>
    %add3A_163 = arith.addf %dot_general3A_161, %add3A_162 : vector<256x64xf32>
    %mul3A_164 = arith.mulf %add3A_163, %slice3A_159 : vector<256x64xf32>
    %reduce_sum3A_165 = arith.constant dense<0.000000e+00> : vector<256xf32>
    %reduce_sum3A_166 = vector.multi_reduction <add>, %mul3A_164, %reduce_sum3A_165 [1] : vector<256x64xf32> to vector<256xf32>
    %broadcast_in_dim3A_167 = vector.shape_cast %reduce_sum3A_166 : vector<256xf32> to vector<256x1xf32>
    %reduce_sum3A_168 = arith.constant dense<0.000000e+00> : vector<64xf32>
    %reduce_sum3A_169 = vector.multi_reduction <add>, %slice3A_159, %reduce_sum3A_168 [0] : vector<256x64xf32> to vector<64xf32>
    %broadcast_in_dim3A_170 = vector.shape_cast %reduce_sum3A_169 : vector<64xf32> to vector<1x64xf32>
    %add3A_171 = arith.addf %add3A_158, %broadcast_in_dim3A_170 : vector<1x64xf32>
    %slice3A_172 = vector.extract_strided_slice %convert_element_type3A_62 {offsets = [2048, 0], sizes = [256, 64], strides = [1, 1]} : vector<4096x64xf32> to vector<256x64xf32>
    %dot_general3A_173 = arith.constant dense<0.000000e+00> : vector<256x64xf32>
    %dot_general3A_174 = tpu.matmul %convert_element_type3A_66, %slice3A_172, %dot_general3A_173 {dimension_numbers = #tpu.dot_dimension_numbers<[1], [0], [0], [1], [0, 0, 1, 1], [], []>, transpose_lhs_hint = false} : vector<256x256xf32>, vector<256x64xf32>, vector<256x64xf32> -> vector<256x64xf32>
    %add3A_175 = vector.broadcast %add3A_171 : vector<1x64xf32> to vector<256x64xf32>
    %add3A_176 = arith.addf %dot_general3A_174, %add3A_175 : vector<256x64xf32>
    %mul3A_177 = arith.mulf %add3A_176, %slice3A_172 : vector<256x64xf32>
    %reduce_sum3A_178 = arith.constant dense<0.000000e+00> : vector<256xf32>
    %reduce_sum3A_179 = vector.multi_reduction <add>, %mul3A_177, %reduce_sum3A_178 [1] : vector<256x64xf32> to vector<256xf32>
    %broadcast_in_dim3A_180 = vector.shape_cast %reduce_sum3A_179 : vector<256xf32> to vector<256x1xf32>
    %reduce_sum3A_181 = arith.constant dense<0.000000e+00> : vector<64xf32>
    %reduce_sum3A_182 = vector.multi_reduction <add>, %slice3A_172, %reduce_sum3A_181 [0] : vector<256x64xf32> to vector<64xf32>
    %broadcast_in_dim3A_183 = vector.shape_cast %reduce_sum3A_182 : vector<64xf32> to vector<1x64xf32>
    %add3A_184 = arith.addf %add3A_171, %broadcast_in_dim3A_183 : vector<1x64xf32>
    %slice3A_185 = vector.extract_strided_slice %convert_element_type3A_62 {offsets = [2304, 0], sizes = [256, 64], strides = [1, 1]} : vector<4096x64xf32> to vector<256x64xf32>
    %dot_general3A_186 = arith.constant dense<0.000000e+00> : vector<256x64xf32>
    %dot_general3A_187 = tpu.matmul %convert_element_type3A_66, %slice3A_185, %dot_general3A_186 {dimension_numbers = #tpu.dot_dimension_numbers<[1], [0], [0], [1], [0, 0, 1, 1], [], []>, transpose_lhs_hint = false} : vector<256x256xf32>, vector<256x64xf32>, vector<256x64xf32> -> vector<256x64xf32>
    %add3A_188 = vector.broadcast %add3A_184 : vector<1x64xf32> to vector<256x64xf32>
    %add3A_189 = arith.addf %dot_general3A_187, %add3A_188 : vector<256x64xf32>
    %mul3A_190 = arith.mulf %add3A_189, %slice3A_185 : vector<256x64xf32>
    %reduce_sum3A_191 = arith.constant dense<0.000000e+00> : vector<256xf32>
    %reduce_sum3A_192 = vector.multi_reduction <add>, %mul3A_190, %reduce_sum3A_191 [1] : vector<256x64xf32> to vector<256xf32>
    %broadcast_in_dim3A_193 = vector.shape_cast %reduce_sum3A_192 : vector<256xf32> to vector<256x1xf32>
    %reduce_sum3A_194 = arith.constant dense<0.000000e+00> : vector<64xf32>
    %reduce_sum3A_195 = vector.multi_reduction <add>, %slice3A_185, %reduce_sum3A_194 [0] : vector<256x64xf32> to vector<64xf32>
    %broadcast_in_dim3A_196 = vector.shape_cast %reduce_sum3A_195 : vector<64xf32> to vector<1x64xf32>
    %add3A_197 = arith.addf %add3A_184, %broadcast_in_dim3A_196 : vector<1x64xf32>
    %slice3A_198 = vector.extract_strided_slice %convert_element_type3A_62 {offsets = [2560, 0], sizes = [256, 64], strides = [1, 1]} : vector<4096x64xf32> to vector<256x64xf32>
    %dot_general3A_199 = arith.constant dense<0.000000e+00> : vector<256x64xf32>
    %dot_general3A_200 = tpu.matmul %convert_element_type3A_66, %slice3A_198, %dot_general3A_199 {dimension_numbers = #tpu.dot_dimension_numbers<[1], [0], [0], [1], [0, 0, 1, 1], [], []>, transpose_lhs_hint = false} : vector<256x256xf32>, vector<256x64xf32>, vector<256x64xf32> -> vector<256x64xf32>
    %add3A_201 = vector.broadcast %add3A_197 : vector<1x64xf32> to vector<256x64xf32>
    %add3A_202 = arith.addf %dot_general3A_200, %add3A_201 : vector<256x64xf32>
    %mul3A_203 = arith.mulf %add3A_202, %slice3A_198 : vector<256x64xf32>
    %reduce_sum3A_204 = arith.constant dense<0.000000e+00> : vector<256xf32>
    %reduce_sum3A_205 = vector.multi_reduction <add>, %mul3A_203, %reduce_sum3A_204 [1] : vector<256x64xf32> to vector<256xf32>
    %broadcast_in_dim3A_206 = vector.shape_cast %reduce_sum3A_205 : vector<256xf32> to vector<256x1xf32>
    %reduce_sum3A_207 = arith.constant dense<0.000000e+00> : vector<64xf32>
    %reduce_sum3A_208 = vector.multi_reduction <add>, %slice3A_198, %reduce_sum3A_207 [0] : vector<256x64xf32> to vector<64xf32>
    %broadcast_in_dim3A_209 = vector.shape_cast %reduce_sum3A_208 : vector<64xf32> to vector<1x64xf32>
    %add3A_210 = arith.addf %add3A_197, %broadcast_in_dim3A_209 : vector<1x64xf32>
    %slice3A_211 = vector.extract_strided_slice %convert_element_type3A_62 {offsets = [2816, 0], sizes = [256, 64], strides = [1, 1]} : vector<4096x64xf32> to vector<256x64xf32>
    %dot_general3A_212 = arith.constant dense<0.000000e+00> : vector<256x64xf32>
    %dot_general3A_213 = tpu.matmul %convert_element_type3A_66, %slice3A_211, %dot_general3A_212 {dimension_numbers = #tpu.dot_dimension_numbers<[1], [0], [0], [1], [0, 0, 1, 1], [], []>, transpose_lhs_hint = false} : vector<256x256xf32>, vector<256x64xf32>, vector<256x64xf32> -> vector<256x64xf32>
    %add3A_214 = vector.broadcast %add3A_210 : vector<1x64xf32> to vector<256x64xf32>
    %add3A_215 = arith.addf %dot_general3A_213, %add3A_214 : vector<256x64xf32>
    %mul3A_216 = arith.mulf %add3A_215, %slice3A_211 : vector<256x64xf32>
    %reduce_sum3A_217 = arith.constant dense<0.000000e+00> : vector<256xf32>
    %reduce_sum3A_218 = vector.multi_reduction <add>, %mul3A_216, %reduce_sum3A_217 [1] : vector<256x64xf32> to vector<256xf32>
    %broadcast_in_dim3A_219 = vector.shape_cast %reduce_sum3A_218 : vector<256xf32> to vector<256x1xf32>
    %reduce_sum3A_220 = arith.constant dense<0.000000e+00> : vector<64xf32>
    %reduce_sum3A_221 = vector.multi_reduction <add>, %slice3A_211, %reduce_sum3A_220 [0] : vector<256x64xf32> to vector<64xf32>
    %broadcast_in_dim3A_222 = vector.shape_cast %reduce_sum3A_221 : vector<64xf32> to vector<1x64xf32>
    %add3A_223 = arith.addf %add3A_210, %broadcast_in_dim3A_222 : vector<1x64xf32>
    %slice3A_224 = vector.extract_strided_slice %convert_element_type3A_62 {offsets = [3072, 0], sizes = [256, 64], strides = [1, 1]} : vector<4096x64xf32> to vector<256x64xf32>
    %dot_general3A_225 = arith.constant dense<0.000000e+00> : vector<256x64xf32>
    %dot_general3A_226 = tpu.matmul %convert_element_type3A_66, %slice3A_224, %dot_general3A_225 {dimension_numbers = #tpu.dot_dimension_numbers<[1], [0], [0], [1], [0, 0, 1, 1], [], []>, transpose_lhs_hint = false} : vector<256x256xf32>, vector<256x64xf32>, vector<256x64xf32> -> vector<256x64xf32>
    %add3A_227 = vector.broadcast %add3A_223 : vector<1x64xf32> to vector<256x64xf32>
    %add3A_228 = arith.addf %dot_general3A_226, %add3A_227 : vector<256x64xf32>
    %mul3A_229 = arith.mulf %add3A_228, %slice3A_224 : vector<256x64xf32>
    %reduce_sum3A_230 = arith.constant dense<0.000000e+00> : vector<256xf32>
    %reduce_sum3A_231 = vector.multi_reduction <add>, %mul3A_229, %reduce_sum3A_230 [1] : vector<256x64xf32> to vector<256xf32>
    %broadcast_in_dim3A_232 = vector.shape_cast %reduce_sum3A_231 : vector<256xf32> to vector<256x1xf32>
    %reduce_sum3A_233 = arith.constant dense<0.000000e+00> : vector<64xf32>
    %reduce_sum3A_234 = vector.multi_reduction <add>, %slice3A_224, %reduce_sum3A_233 [0] : vector<256x64xf32> to vector<64xf32>
    %broadcast_in_dim3A_235 = vector.shape_cast %reduce_sum3A_234 : vector<64xf32> to vector<1x64xf32>
    %add3A_236 = arith.addf %add3A_223, %broadcast_in_dim3A_235 : vector<1x64xf32>
    %slice3A_237 = vector.extract_strided_slice %convert_element_type3A_62 {offsets = [3328, 0], sizes = [256, 64], strides = [1, 1]} : vector<4096x64xf32> to vector<256x64xf32>
    %dot_general3A_238 = arith.constant dense<0.000000e+00> : vector<256x64xf32>
    %dot_general3A_239 = tpu.matmul %convert_element_type3A_66, %slice3A_237, %dot_general3A_238 {dimension_numbers = #tpu.dot_dimension_numbers<[1], [0], [0], [1], [0, 0, 1, 1], [], []>, transpose_lhs_hint = false} : vector<256x256xf32>, vector<256x64xf32>, vector<256x64xf32> -> vector<256x64xf32>
    %add3A_240 = vector.broadcast %add3A_236 : vector<1x64xf32> to vector<256x64xf32>
    %add3A_241 = arith.addf %dot_general3A_239, %add3A_240 : vector<256x64xf32>
    %mul3A_242 = arith.mulf %add3A_241, %slice3A_237 : vector<256x64xf32>
    %reduce_sum3A_243 = arith.constant dense<0.000000e+00> : vector<256xf32>
    %reduce_sum3A_244 = vector.multi_reduction <add>, %mul3A_242, %reduce_sum3A_243 [1] : vector<256x64xf32> to vector<256xf32>
    %broadcast_in_dim3A_245 = vector.shape_cast %reduce_sum3A_244 : vector<256xf32> to vector<256x1xf32>
    %reduce_sum3A_246 = arith.constant dense<0.000000e+00> : vector<64xf32>
    %reduce_sum3A_247 = vector.multi_reduction <add>, %slice3A_237, %reduce_sum3A_246 [0] : vector<256x64xf32> to vector<64xf32>
    %broadcast_in_dim3A_248 = vector.shape_cast %reduce_sum3A_247 : vector<64xf32> to vector<1x64xf32>
    %add3A_249 = arith.addf %add3A_236, %broadcast_in_dim3A_248 : vector<1x64xf32>
    %slice3A_250 = vector.extract_strided_slice %convert_element_type3A_62 {offsets = [3584, 0], sizes = [256, 64], strides = [1, 1]} : vector<4096x64xf32> to vector<256x64xf32>
    %dot_general3A_251 = arith.constant dense<0.000000e+00> : vector<256x64xf32>
    %dot_general3A_252 = tpu.matmul %convert_element_type3A_66, %slice3A_250, %dot_general3A_251 {dimension_numbers = #tpu.dot_dimension_numbers<[1], [0], [0], [1], [0, 0, 1, 1], [], []>, transpose_lhs_hint = false} : vector<256x256xf32>, vector<256x64xf32>, vector<256x64xf32> -> vector<256x64xf32>
    %add3A_253 = vector.broadcast %add3A_249 : vector<1x64xf32> to vector<256x64xf32>
    %add3A_254 = arith.addf %dot_general3A_252, %add3A_253 : vector<256x64xf32>
    %mul3A_255 = arith.mulf %add3A_254, %slice3A_250 : vector<256x64xf32>
    %reduce_sum3A_256 = arith.constant dense<0.000000e+00> : vector<256xf32>
    %reduce_sum3A_257 = vector.multi_reduction <add>, %mul3A_255, %reduce_sum3A_256 [1] : vector<256x64xf32> to vector<256xf32>
    %broadcast_in_dim3A_258 = vector.shape_cast %reduce_sum3A_257 : vector<256xf32> to vector<256x1xf32>
    %reduce_sum3A_259 = arith.constant dense<0.000000e+00> : vector<64xf32>
    %reduce_sum3A_260 = vector.multi_reduction <add>, %slice3A_250, %reduce_sum3A_259 [0] : vector<256x64xf32> to vector<64xf32>
    %broadcast_in_dim3A_261 = vector.shape_cast %reduce_sum3A_260 : vector<64xf32> to vector<1x64xf32>
    %add3A_262 = arith.addf %add3A_249, %broadcast_in_dim3A_261 : vector<1x64xf32>
    %slice3A_263 = vector.extract_strided_slice %convert_element_type3A_62 {offsets = [3840, 0], sizes = [256, 64], strides = [1, 1]} : vector<4096x64xf32> to vector<256x64xf32>
    %dot_general3A_264 = arith.constant dense<0.000000e+00> : vector<256x64xf32>
    %dot_general3A_265 = tpu.matmul %convert_element_type3A_66, %slice3A_263, %dot_general3A_264 {dimension_numbers = #tpu.dot_dimension_numbers<[1], [0], [0], [1], [0, 0, 1, 1], [], []>, transpose_lhs_hint = false} : vector<256x256xf32>, vector<256x64xf32>, vector<256x64xf32> -> vector<256x64xf32>
    %add3A_266 = vector.broadcast %add3A_262 : vector<1x64xf32> to vector<256x64xf32>
    %add3A_267 = arith.addf %dot_general3A_265, %add3A_266 : vector<256x64xf32>
    %mul3A_268 = arith.mulf %add3A_267, %slice3A_263 : vector<256x64xf32>
    %reduce_sum3A_269 = arith.constant dense<0.000000e+00> : vector<256xf32>
    %reduce_sum3A_270 = vector.multi_reduction <add>, %mul3A_268, %reduce_sum3A_269 [1] : vector<256x64xf32> to vector<256xf32>
    %broadcast_in_dim3A_271 = vector.shape_cast %reduce_sum3A_270 : vector<256xf32> to vector<256x1xf32>
    %reduce_sum3A_272 = arith.constant dense<0.000000e+00> : vector<64xf32>
    %reduce_sum3A_273 = vector.multi_reduction <add>, %slice3A_263, %reduce_sum3A_272 [0] : vector<256x64xf32> to vector<64xf32>
    %broadcast_in_dim3A_274 = vector.shape_cast %reduce_sum3A_273 : vector<64xf32> to vector<1x64xf32>
    %add3A_275 = arith.addf %add3A_262, %broadcast_in_dim3A_274 : vector<1x64xf32>
    %concatenate3A_276 = tpu.concatenate %broadcast_in_dim3A_76, %broadcast_in_dim3A_89, %broadcast_in_dim3A_102, %broadcast_in_dim3A_115, %broadcast_in_dim3A_128, %broadcast_in_dim3A_141, %broadcast_in_dim3A_154, %broadcast_in_dim3A_167, %broadcast_in_dim3A_180, %broadcast_in_dim3A_193, %broadcast_in_dim3A_206, %broadcast_in_dim3A_219, %broadcast_in_dim3A_232, %broadcast_in_dim3A_245, %broadcast_in_dim3A_258, %broadcast_in_dim3A_271 in 0 : vector<256x1xf32>, vector<256x1xf32>, vector<256x1xf32>, vector<256x1xf32>, vector<256x1xf32>, vector<256x1xf32>, vector<256x1xf32>, vector<256x1xf32>, vector<256x1xf32>, vector<256x1xf32>, vector<256x1xf32>, vector<256x1xf32>, vector<256x1xf32>, vector<256x1xf32>, vector<256x1xf32>, vector<256x1xf32> -> vector<4096x1xf32>
    %convert_element_type3A_277 = arith.fptosi %add3A_275 : vector<1x64xf32> to vector<1x64xi32>
    %add3A_278 = arith.constant 127 : i32
    %add3A_279 = vector.broadcast %add3A_278 : i32 to vector<1x64xi32>
    %add3A_280 = arith.addi %convert_element_type3A_277, %add3A_279 : vector<1x64xi32>
    %jit3A_281 = arith.constant 128 : i32
    %div3A_282 = vector.broadcast %jit3A_281 : i32 to vector<1x64xi32>
    %div3A_283 = arith.divsi %add3A_280, %div3A_282 : vector<1x64xi32>
    %sign3A = arith.constant 0 : i32
    %sign3A_284 = vector.broadcast %sign3A : i32 to vector<1x64xi32>
    %sign3A_285 = arith.cmpi sgt, %add3A_280, %sign3A_284 : vector<1x64xi32>
    %sign3A_286 = arith.extui %sign3A_285 : vector<1x64xi1> to vector<1x64xi32>
    %sign3A_287 = arith.constant 0 : i32
    %sign3A_288 = vector.broadcast %sign3A_287 : i32 to vector<1x64xi32>
    %sign3A_289 = arith.cmpi slt, %add3A_280, %sign3A_288 : vector<1x64xi32>
    %sign3A_290 = arith.extui %sign3A_289 : vector<1x64xi1> to vector<1x64xi32>
    %sign3A_291 = arith.subi %sign3A_286, %sign3A_290 : vector<1x64xi32>
    %sign3A_292 = arith.constant 0 : i32
    %sign3A_293 = arith.cmpi sgt, %jit3A_281, %sign3A_292 : i32
    %sign3A_294 = arith.extui %sign3A_293 : i1 to i32
    %sign3A_295 = arith.constant 0 : i32
    %sign3A_296 = arith.cmpi slt, %jit3A_281, %sign3A_295 : i32
    %sign3A_297 = arith.extui %sign3A_296 : i1 to i32
    %sign3A_298 = arith.subi %sign3A_294, %sign3A_297 : i32
    %ne3A = vector.broadcast %sign3A_298 : i32 to vector<1x64xi32>
    %ne3A_299 = arith.cmpi ne, %sign3A_291, %ne3A : vector<1x64xi32>
    %rem3A = vector.broadcast %jit3A_281 : i32 to vector<1x64xi32>
    %rem3A_300 = arith.remsi %add3A_280, %rem3A : vector<1x64xi32>
    %ne3A_301 = arith.constant 0 : i32
    %ne3A_302 = vector.broadcast %ne3A_301 : i32 to vector<1x64xi32>
    %ne3A_303 = arith.cmpi ne, %rem3A_300, %ne3A_302 : vector<1x64xi32>
    %and3A = arith.andi %ne3A_299, %ne3A_303 : vector<1x64xi1>
    %sub3A_304 = arith.constant 1 : i32
    %sub3A_305 = vector.broadcast %sub3A_304 : i32 to vector<1x64xi32>
    %sub3A_306 = arith.subi %div3A_283, %sub3A_305 : vector<1x64xi32>
    %select_n3A_307 = arith.select %and3A, %sub3A_306, %div3A_283 : vector<1x64xi1>, vector<1x64xi32>
    %convert_element_type3A_308 = arith.sitofp %select_n3A_307 : vector<1x64xi32> to vector<1x64xf32>
    %iota3A_309 = tpu.iota {dimensions = array<i32: 0>} : vector<64x64xi32>
    %iota3A_310 = tpu.iota {dimensions = array<i32: 1>} : vector<64x64xi32>
    %le3A = arith.cmpi sle, %iota3A_309, %iota3A_310 : vector<64x64xi32>
    %convert_element_type3A_311 = arith.extui %le3A : vector<64x64xi1> to vector<64x64xi32>
    %convert_element_type3A_312 = arith.sitofp %convert_element_type3A_311 : vector<64x64xi32> to vector<64x64xf32>
    %dot_general3A_313 = arith.constant dense<0.000000e+00> : vector<1x64xf32>
    %dot_general3A_314 = tpu.matmul %convert_element_type3A_308, %convert_element_type3A_312, %dot_general3A_313 {dimension_numbers = #tpu.dot_dimension_numbers<[1], [0], [0], [1], [0, 0, 1, 1], [], []>, transpose_lhs_hint = false} : vector<1x64xf32>, vector<64x64xf32>, vector<1x64xf32> -> vector<1x64xf32>
    %slice3A_315 = vector.extract_strided_slice %dot_general3A_314 {offsets = [0, 63], sizes = [1, 1], strides = [1, 1]} : vector<1x64xf32> to vector<1x1xf32>
    %squeeze3A = vector.extract %slice3A_315[0, 0] : f32 from vector<1x1xf32>
    %sub3A_316 = arith.subf %dot_general3A_314, %convert_element_type3A_308 : vector<1x64xf32>
    %mul3A_317 = arith.constant 1.280000e+02 : f32
    %mul3A_318 = vector.broadcast %mul3A_317 : f32 to vector<1x64xf32>
    %mul3A_319 = arith.mulf %sub3A_316, %mul3A_318 : vector<1x64xf32>
    %mul3A_320 = vector.broadcast %mul3A_319 : vector<1x64xf32> to vector<4096x64xf32>
    %mul3A_321 = arith.mulf %convert_element_type3A_62, %mul3A_320 : vector<4096x64xf32>
    %reduce_sum3A_322 = arith.constant dense<0.000000e+00> : vector<4096xf32>
    %reduce_sum3A_323 = vector.multi_reduction <add>, %mul3A_321, %reduce_sum3A_322 [1] : vector<4096x64xf32> to vector<4096xf32>
    %broadcast_in_dim3A_324 = vector.shape_cast %reduce_sum3A_323 : vector<4096xf32> to vector<4096x1xf32>
    %add3A_325 = arith.addf %broadcast_in_dim3A_324, %concatenate3A_276 : vector<4096x1xf32>
    %convert_element_type3A_326 = arith.fptosi %add3A_325 : vector<4096x1xf32> to vector<4096x1xi32>
    %swap3A_327 = arith.constant 0 : index
    %swap3A_328 = arith.constant 0 : index
    %swap3A_329 = vector.load %arg2[%swap3A_327, %swap3A_328] : memref<4096x1xi32, #tpu.memory_space<vmem>>, vector<4096x1xi32>
    tpu.vector_store %arg2[%swap3A_327, %swap3A_328], %convert_element_type3A_326 {strides = array<i32>} : memref<4096x1xi32, #tpu.memory_space<vmem>>, vector<4096x1xi32>,
    %iota3A_330 = tpu.iota {dimensions = array<i32: 0>} : vector<96x1xi32>
    %convert_element_type3A_331 = arith.sitofp %iota3A_330 : vector<96x1xi32> to vector<96x1xf32>
    %sub3A_332 = arith.constant 1.000000e+00 : f32
    %sub3A_333 = arith.subf %squeeze3A, %sub3A_332 : f32
    %min3A = vector.broadcast %sub3A_333 : f32 to vector<96x1xf32>
    %min3A_334 = arith.minimumf %convert_element_type3A_331, %min3A : vector<96x1xf32>
    %le3A_335 = vector.broadcast %dot_general3A_314 : vector<1x64xf32> to vector<96x64xf32>
    %le3A_336 = vector.broadcast %min3A_334 : vector<96x1xf32> to vector<96x64xf32>
    %le3A_337 = arith.cmpf ole, %le3A_335, %le3A_336 : vector<96x64xf32>
    %convert_element_type3A_338 = arith.extui %le3A_337 : vector<96x64xi1> to vector<96x64xi32>
    %reduce_sum3A_339 = arith.constant dense<0> : vector<96xi32>
    %reduce_sum3A_340 = vector.multi_reduction <add>, %convert_element_type3A_338, %reduce_sum3A_339 [1] : vector<96x64xi32> to vector<96xi32>
    %broadcast_in_dim3A_341 = vector.shape_cast %reduce_sum3A_340 : vector<96xi32> to vector<96x1xi32>
    %swap3A_342 = arith.constant 0 : index
    %swap3A_343 = arith.constant 0 : index
    %swap3A_344 = vector.load %arg4[%swap3A_342, %swap3A_343] : memref<96x1xi32, #tpu.memory_space<vmem>>, vector<96x1xi32>
    tpu.vector_store %arg4[%swap3A_342, %swap3A_343], %broadcast_in_dim3A_341 {strides = array<i32>} : memref<96x1xi32, #tpu.memory_space<vmem>>, vector<96x1xi32>,
    %lt3A = vector.broadcast %squeeze3A : f32 to vector<96x1xf32>
    %lt3A_345 = arith.cmpf olt, %convert_element_type3A_331, %lt3A : vector<96x1xf32>
    %convert_element_type3A_346 = arith.extui %lt3A_345 : vector<96x1xi1> to vector<96x1xi32>
    %swap3A_347 = arith.constant 0 : index
    %swap3A_348 = arith.constant 0 : index
    %swap3A_349 = vector.load %arg5[%swap3A_347, %swap3A_348] : memref<96x1xi32, #tpu.memory_space<vmem>>, vector<96x1xi32>
    tpu.vector_store %arg5[%swap3A_347, %swap3A_348], %convert_element_type3A_346 {strides = array<i32>} : memref<96x1xi32, #tpu.memory_space<vmem>>, vector<96x1xi32>,
    %convert_element_type3A_350 = arith.fptosi %min3A_334 : vector<96x1xf32> to vector<96x1xi32>
    %swap3A_351 = arith.constant 0 : index
    %swap3A_352 = arith.constant 0 : index
    %swap3A_353 = vector.load %arg6[%swap3A_351, %swap3A_352] : memref<96x1xi32, #tpu.memory_space<vmem>>, vector<96x1xi32>
    tpu.vector_store %arg6[%swap3A_351, %swap3A_352], %convert_element_type3A_350 {strides = array<i32>} : memref<96x1xi32, #tpu.memory_space<vmem>>, vector<96x1xi32>,
    return
  }
}

module attributes {stable_mosaic.version = 14 : i64} {
  func.func @_expert_body(%arg0: i32, %arg1: memref<96xi32, #tpu.memory_space<smem>>, %arg2: memref<96xi32, #tpu.memory_space<smem>>, %arg3: memref<96xi32, #tpu.memory_space<smem>>, %arg4: memref<128x768xf32, #tpu.memory_space<vmem>>, %arg5: memref<1x512x768xf32, #tpu.memory_space<vmem>>, %arg6: memref<1x512x768xf32, #tpu.memory_space<vmem>>, %arg7: memref<1x768x512xf32, #tpu.memory_space<vmem>>, %arg8: memref<128x768xf32, #tpu.memory_space<vmem>>) attributes {dimension_semantics = [#tpu.dimension_semantics<arbitrary>], iteration_bounds = array<i64: 95>, scalar_prefetch = 3 : i64, scratch_operands = 0 : i64, tpu.core_type = #tpu.core_type<tc>, window_params = [{transform_indices = @transform_0, window_bounds = array<i64: 128, 768>}, {transform_indices = @transform_1, window_bounds = array<i64: 1, 512, 768>}, {transform_indices = @transform_2, window_bounds = array<i64: 1, 512, 768>}, {transform_indices = @transform_3, window_bounds = array<i64: 1, 768, 512>}, {transform_indices = @transform_4, window_bounds = array<i64: 128, 768>}]} {
    %get3A = arith.index_cast %arg0 : i32 to index
    %get3A_0 = memref.load %arg2[%get3A] : memref<96xi32, #tpu.memory_space<smem>>
    %eq3A = arith.constant 1 : i32
    %eq3A_1 = arith.cmpi eq, %get3A_0, %eq3A : i32
    %convert_element_type3A = arith.extui %eq3A_1 : i1 to i32
    %cond3A = arith.constant 0 : i32
    %cond3A_2 = arith.cmpi ne, %convert_element_type3A, %cond3A : i32
    scf.if %cond3A_2 {
      %get3A_3 = arith.constant 0 : index
      %get3A_4 = arith.constant 0 : index
      %get3A_5 = vector.load %arg4[%get3A_3, %get3A_4] : memref<128x768xf32, #tpu.memory_space<vmem>>, vector<128x768xf32>
      %get3A_6 = arith.constant 0 : index
      %get3A_7 = arith.constant 0 : index
      %get3A_8 = arith.constant 0 : index
      %get3A_9 = vector.load %arg5[%get3A_6, %get3A_7, %get3A_8] : memref<1x512x768xf32, #tpu.memory_space<vmem>>, vector<1x512x768xf32>
      %get3A_10 = vector.shape_cast %get3A_9 : vector<1x512x768xf32> to vector<512x768xf32>
      %dot_general3A = arith.constant dense<0.000000e+00> : vector<128x512xf32>
      %dot_general3A_11 = tpu.matmul %get3A_5, %get3A_10, %dot_general3A {dimension_numbers = #tpu.dot_dimension_numbers<[1], [1], [0], [0], [0, 0, 1, 0], [], []>, transpose_lhs_hint = false} : vector<128x768xf32>, vector<512x768xf32>, vector<128x512xf32> -> vector<128x512xf32>
      %get3A_12 = arith.constant 0 : index
      %get3A_13 = arith.constant 0 : index
      %get3A_14 = arith.constant 0 : index
      %get3A_15 = vector.load %arg6[%get3A_12, %get3A_13, %get3A_14] : memref<1x512x768xf32, #tpu.memory_space<vmem>>, vector<1x512x768xf32>
      %get3A_16 = vector.shape_cast %get3A_15 : vector<1x512x768xf32> to vector<512x768xf32>
      %dot_general3A_17 = arith.constant dense<0.000000e+00> : vector<128x512xf32>
      %dot_general3A_18 = tpu.matmul %get3A_5, %get3A_16, %dot_general3A_17 {dimension_numbers = #tpu.dot_dimension_numbers<[1], [1], [0], [0], [0, 0, 1, 0], [], []>, transpose_lhs_hint = false} : vector<128x768xf32>, vector<512x768xf32>, vector<128x512xf32> -> vector<128x512xf32>
      %neg3A = arith.constant 0.000000e+00 : f32
      %neg3A_19 = vector.broadcast %neg3A : f32 to vector<128x512xf32>
      %neg3A_20 = arith.subf %neg3A_19, %dot_general3A_11 : vector<128x512xf32>
      %exp3A = math.exp %neg3A_20 : vector<128x512xf32>
      %add3A = arith.constant 1.000000e+00 : f32
      %add3A_21 = vector.broadcast %add3A : f32 to vector<128x512xf32>
      %add3A_22 = arith.addf %add3A_21, %exp3A : vector<128x512xf32>
      %div3A = arith.constant 1.000000e+00 : f32
      %div3A_23 = vector.broadcast %div3A : f32 to vector<128x512xf32>
      %div3A_24 = arith.divf %div3A_23, %add3A_22 : vector<128x512xf32>
      %mul3A = arith.mulf %dot_general3A_11, %div3A_24 : vector<128x512xf32>
      %mul3A_25 = arith.mulf %mul3A, %dot_general3A_18 : vector<128x512xf32>
      %get3A_26 = arith.constant 0 : index
      %get3A_27 = arith.constant 0 : index
      %get3A_28 = arith.constant 0 : index
      %get3A_29 = vector.load %arg7[%get3A_26, %get3A_27, %get3A_28] : memref<1x768x512xf32, #tpu.memory_space<vmem>>, vector<1x768x512xf32>
      %get3A_30 = vector.shape_cast %get3A_29 : vector<1x768x512xf32> to vector<768x512xf32>
      %dot_general3A_31 = arith.constant dense<0.000000e+00> : vector<128x768xf32>
      %dot_general3A_32 = tpu.matmul %mul3A_25, %get3A_30, %dot_general3A_31 {dimension_numbers = #tpu.dot_dimension_numbers<[1], [1], [0], [0], [0, 0, 1, 0], [], []>, transpose_lhs_hint = false} : vector<128x512xf32>, vector<768x512xf32>, vector<128x768xf32> -> vector<128x768xf32>
      %swap3A = arith.constant 0 : index
      %swap3A_33 = arith.constant 0 : index
      %swap3A_34 = vector.load %arg8[%swap3A, %swap3A_33] : memref<128x768xf32, #tpu.memory_space<vmem>>, vector<128x768xf32>
      tpu.vector_store %arg8[%swap3A, %swap3A_33], %dot_general3A_32 {strides = array<i32>} : memref<128x768xf32, #tpu.memory_space<vmem>>, vector<128x768xf32>,
    } else {
    }
    return
  }
  func.func @transform_0(%arg0: i32, %arg1: memref<96xi32, #tpu.memory_space<smem>>, %arg2: memref<96xi32, #tpu.memory_space<smem>>, %arg3: memref<96xi32, #tpu.memory_space<smem>>) -> (i32, i32) {
    %get3A = arith.index_cast %arg0 : i32 to index
    %get3A_0 = memref.load %arg3[%get3A] : memref<96xi32, #tpu.memory_space<smem>>
    %c0_i32 = arith.constant 0 : i32
    %c0_i32_1 = arith.constant 0 : i32
    return %get3A_0, %c0_i32 : i32, i32
  }
  func.func @transform_1(%arg0: i32, %arg1: memref<96xi32, #tpu.memory_space<smem>>, %arg2: memref<96xi32, #tpu.memory_space<smem>>, %arg3: memref<96xi32, #tpu.memory_space<smem>>) -> (i32, i32, i32) {
    %get3A = arith.index_cast %arg0 : i32 to index
    %get3A_0 = memref.load %arg1[%get3A] : memref<96xi32, #tpu.memory_space<smem>>
    %c0_i32 = arith.constant 0 : i32
    %c0_i32_1 = arith.constant 0 : i32
    %c0_i32_2 = arith.constant 0 : i32
    return %get3A_0, %c0_i32, %c0_i32_1 : i32, i32, i32
  }
  func.func @transform_2(%arg0: i32, %arg1: memref<96xi32, #tpu.memory_space<smem>>, %arg2: memref<96xi32, #tpu.memory_space<smem>>, %arg3: memref<96xi32, #tpu.memory_space<smem>>) -> (i32, i32, i32) {
    %get3A = arith.index_cast %arg0 : i32 to index
    %get3A_0 = memref.load %arg1[%get3A] : memref<96xi32, #tpu.memory_space<smem>>
    %c0_i32 = arith.constant 0 : i32
    %c0_i32_1 = arith.constant 0 : i32
    %c0_i32_2 = arith.constant 0 : i32
    return %get3A_0, %c0_i32, %c0_i32_1 : i32, i32, i32
  }
  func.func @transform_3(%arg0: i32, %arg1: memref<96xi32, #tpu.memory_space<smem>>, %arg2: memref<96xi32, #tpu.memory_space<smem>>, %arg3: memref<96xi32, #tpu.memory_space<smem>>) -> (i32, i32, i32) {
    %get3A = arith.index_cast %arg0 : i32 to index
    %get3A_0 = memref.load %arg1[%get3A] : memref<96xi32, #tpu.memory_space<smem>>
    %c0_i32 = arith.constant 0 : i32
    %c0_i32_1 = arith.constant 0 : i32
    %c0_i32_2 = arith.constant 0 : i32
    return %get3A_0, %c0_i32, %c0_i32_1 : i32, i32, i32
  }
  func.func @transform_4(%arg0: i32, %arg1: memref<96xi32, #tpu.memory_space<smem>>, %arg2: memref<96xi32, #tpu.memory_space<smem>>, %arg3: memref<96xi32, #tpu.memory_space<smem>>) -> (i32, i32) {
    %get3A = arith.index_cast %arg0 : i32 to index
    %get3A_0 = memref.load %arg3[%get3A] : memref<96xi32, #tpu.memory_space<smem>>
    %c0_i32 = arith.constant 0 : i32
    %c0_i32_1 = arith.constant 0 : i32
    return %get3A_0, %c0_i32 : i32, i32
  }
}

module attributes {stable_mosaic.version = 14 : i64} {
  func.func @_combine_body(%arg0: memref<2048x2xf32, #tpu.memory_space<vmem>>, %arg1: memref<2048x768xf32, #tpu.memory_space<vmem>>, %arg2: memref<2048x768xf32, #tpu.memory_space<vmem>>, %arg3: memref<2048x768xf32, #tpu.memory_space<vmem>>) attributes {dimension_semantics = [], scalar_prefetch = 0 : i64, scratch_operands = 0 : i64, tpu.core_type = #tpu.core_type<tc>} {
    %get3A = arith.constant 0 : index
    %get3A_0 = arith.constant 0 : index
    %get3A_1 = vector.load %arg0[%get3A, %get3A_0] : memref<2048x2xf32, #tpu.memory_space<vmem>>, vector<2048x2xf32>
    %get3A_2 = arith.constant 0 : index
    %get3A_3 = arith.constant 0 : index
    %get3A_4 = vector.load %arg1[%get3A_2, %get3A_3] : memref<2048x768xf32, #tpu.memory_space<vmem>>, vector<2048x768xf32>
    %slice3A = vector.extract_strided_slice %get3A_1 {offsets = [0, 0], sizes = [2048, 1], strides = [1, 1]} : vector<2048x2xf32> to vector<2048x1xf32>
    %mul3A = vector.broadcast %slice3A : vector<2048x1xf32> to vector<2048x768xf32>
    %mul3A_5 = arith.mulf %get3A_4, %mul3A : vector<2048x768xf32>
    %get3A_6 = arith.constant 0 : index
    %get3A_7 = arith.constant 0 : index
    %get3A_8 = vector.load %arg2[%get3A_6, %get3A_7] : memref<2048x768xf32, #tpu.memory_space<vmem>>, vector<2048x768xf32>
    %slice3A_9 = vector.extract_strided_slice %get3A_1 {offsets = [0, 1], sizes = [2048, 1], strides = [1, 1]} : vector<2048x2xf32> to vector<2048x1xf32>
    %mul3A_10 = vector.broadcast %slice3A_9 : vector<2048x1xf32> to vector<2048x768xf32>
    %mul3A_11 = arith.mulf %get3A_8, %mul3A_10 : vector<2048x768xf32>
    %add3A = arith.addf %mul3A_5, %mul3A_11 : vector<2048x768xf32>
    %swap3A = arith.constant 0 : index
    %swap3A_12 = arith.constant 0 : index
    %swap3A_13 = vector.load %arg3[%swap3A, %swap3A_12] : memref<2048x768xf32, #tpu.memory_space<vmem>>, vector<2048x768xf32>
    tpu.vector_store %arg3[%swap3A, %swap3A_12], %add3A {strides = array<i32>} : memref<2048x768xf32, #tpu.memory_space<vmem>>, vector<2048x768xf32>,
    return
  }
}

</mosaic_0001>

<sc_bundles>
// kernel: kernel.10.cloned.1.call-start
scs
__scs_entry_jumppad:
0x0: {  	(pc) =	sbr.rel $0x88, $3  }
0x1: {  	(tag) =	ssettag $0x0;
	lr =	simm.s32 $0x1  }
0x2: {  	[smem:$0x3F9C] =	sst lr;
	_ =	strace $0xD0000000  }
0x3: {  	_ = 	snop  }
0x4: {  	_ = 	snop  }
0x5: {  	_ = 	snop  }
0x6: {  	_ = 	snop  }
0x7: {  	_ = 	snop  }
__scs_overlays_trampoline_lowered:
0x8: {  	[smem:$0x3FAB] =	sst s0  }
0x9: {  	[smem:$0x3FAC] =	sst s1  }
0xa: {  	[smem:$0x3FAD] =	sst s2  }
0xb: {  	[smem:$0x3FAE] =	sst s3  }
0xc: {  	[smem:$0x3FAF] =	sst s4  }
0xd: {  	[smem:$0x3FB0] =	sst s5  }
0xe: {  	[smem:$0x3FB1] =	sst s6  }
0xf: {  	[smem:$0x3FB2] =	sst s7  }
0x10: {  	[smem:$0x3FB3] =	sst s8  }
0x11: {  	[smem:$0x3FB4] =	sst s9;
	s0 =	simm.s32 @!p0 $0x0  }
0x12: {  	s1 =	sld [smem:$0x3F9A];
	s0 =	simm.s32 @p0 $0x1  }
0x13: {  	[smem:$0x3FB5] =	sst s0;
	s0 =	simm.s32 @!p1 $0x0  }
0x14: {  	s2 =	sld [smem:$0x3F99];
	s0 =	simm.s32 @p1 $0x1  }
0x15: {  	[smem:$0x3FB6] =	sst s0;
	s0 =	simm.s32 @!p2 $0x0  }
0x16: {  	s3 =	sld [smem:$0x3FDB];
	s0 =	simm.s32 @p2 $0x1  }
0x17: {  	s4 =	simm.s32 $0x1BF5;
	[smem:$0x3FB8] =	sst s0  }
0x18: {  	s0 =	sld [smem:$0x3F9B];
	_ =	swait.ge [sflag:s4], $0x0  }
0x19: {  	s7 =	sld [smem:$0x3F9C]  }
0x1a: {  	s8 =	sadd.s32 $0xFFFFE003, lr  }
0x1b: {  	s9 =	sadd.s32 $0xFFFFFEF7, lr;
	s5 =	simm.s32 $0xFFFFFFFF;
	p2 =	slt.u32 s8, $0xFFFFF086  }
0x1c: {  	p1 =	slt.u32 s9, $0xF7A;
	s5 =	simm.s32 @!p2 $0x0  }
0x1d: {  	s5 =	simm.s32 @p1 $0x1;
	p0 =	seq.s32 s7, s2  }
0x1e: {  	s7 =	smul.u32 @!p0 $0xF7A, s2;
	p2 =	seq.s32 @!p0 s5, $0x0  }
0x1f: {  	s9 =	smul.u32 $0xF7A, s1;
	s8 =	simm.s32 @!p0 $0x1BF5;
	p2 =	por !p2, p0  }
0x20: {  	[sflag:s8] =	ssyncset.s32 @!p0 $0xFFFFF086;
	s6 =	sadd.s32 @!p0 s3, s7;
	s7 =	simm.s32 @!p0 $0x108  }
0x21: {  	s3 =	sadd.s32 s3, s9;
	s6 =	sadd.s32 @!p0 $0x88, s6;
	s7 =	simm.s32 @p2 $0x1082  }
0x22: {  	[simem:s7], [sflag:s8] =	dma.local @!p0 [hbm:s6], $0xF7A  }
0x23: {  	s9 =	sor.u32 $0xD0000000, s2;
	s6 =	simm.s32 $0x108;
	_ =	swait.ge @!p0 [sflag:s8], $0x0  }
0x24: {  	s3 =	sadd.s32 $0x88, s3;
	s6 =	simm.s32 @!p1 $0x1082;
	[sflag:s4] =	ssyncset.s32 $0xFFFFF086  }
0x25: {  	[simem:s6], [sflag:s4] =	dma.local [hbm:s3], $0xF7A  }
0x26: {  	[smem:$0x3F9C] =	sst s1;
	(tag) =	ssettag s2;
	_ =	strace s9  }
0x27: {  	s1 =	sld [smem:$0x3FAC]  }
0x28: {  	s2 =	sld [smem:$0x3FAD]  }
0x29: {  	s4 =	sld [smem:$0x3FAF]  }
0x2a: {  	p0 =	seq.s32 s5, $0x0;
	s5 =	sld [smem:$0x3FB0]  }
0x2b: {  	s6 =	sld [smem:$0x3FB1]  }
0x2c: {  	s7 =	sld [smem:$0x3FB2]  }
0x2d: {  	s3 =	simm.s32 $0x108;
	s8 =	sld [smem:$0x3FB3]  }
0x2e: {  	s3 =	simm.s32 @!p0 $0x1082;
	s9 =	sld [smem:$0x3FB4]  }
0x2f: {  	lr =	sadd.s32 s0, s3;
	s0 =	sld [smem:$0x3FAB]  }
0x30: {  	s3 =	sld [smem:$0x3FAE]  }
0x31: {  	[smem:$0x3FB7] =	sst s10  }
0x32: {  	s10 =	sld [smem:$0x3FB5];
	_ =	sdelay $0x3  }
0x33: {  	p0 =	seq.s32 s10, $0x1;
	s10 =	sld [smem:$0x3FB7];
	_ =	sdelay $0x3  }
0x34: {  	[smem:$0x3FB7] =	sst s10  }
0x35: {  	s10 =	sld [smem:$0x3FB6];
	_ =	sdelay $0x3  }
0x36: {  	p1 =	seq.s32 s10, $0x1;
	s10 =	sld [smem:$0x3FB7];
	_ =	sdelay $0x3  }
0x37: {  	[smem:$0x3FB7] =	sst s10  }
0x38: {  	s10 =	sld [smem:$0x3FB8]  }
0x39: {  	_ = 	snop;
	(pc) =	sbr.ind lr, $3  }
0x3a: {  	_ = 	snop  }
0x3b: {  	_ = 	snop  }
0x3c: {  	p2 =	seq.s32 s10, $0x1;
	s10 =	sld [smem:$0x3FB7]  }
0x3d: {  	_ =	shalt  }
0x3e: {  	_ =	shalt  }
0x3f: {  	_ =	shalt  }
0x40: {  	_ =	shalt  }
0x41: {  	_ =	shalt  }
0x42: {  	_ =	shalt  }
0x43: {  	_ =	shalt  }
0x44: {  	_ =	shalt  }
0x45: {  	_ =	shalt  }
0x46: {  	_ =	shalt  }
0x47: {  	_ =	shalt  }
0x48: {  	_ =	shalt  }
0x49: {  	_ =	shalt  }
0x4a: {  	_ =	shalt  }
0x4b: {  	_ =	shalt  }
0x4c: {  	_ =	shalt  }
0x4d: {  	_ =	shalt  }
0x4e: {  	_ =	shalt  }
0x4f: {  	_ =	shalt  }
0x50: {  	_ =	shalt  }
0x51: {  	_ =	shalt  }
0x52: {  	_ =	shalt  }
0x53: {  	_ =	shalt  }
0x54: {  	_ =	shalt  }
0x55: {  	_ =	shalt  }
0x56: {  	_ =	shalt  }
0x57: {  	_ =	shalt  }
0x58: {  	_ =	shalt  }
0x59: {  	_ =	shalt  }
0x5a: {  	_ =	shalt  }
0x5b: {  	_ =	shalt  }
0x5c: {  	_ =	shalt  }
0x5d: {  	_ =	shalt  }
0x5e: {  	_ =	shalt  }
0x5f: {  	_ =	shalt  }
0x60: {  	_ =	shalt  }
0x61: {  	_ =	shalt  }
0x62: {  	_ =	shalt  }
0x63: {  	_ =	shalt  }
0x64: {  	_ =	shalt  }
0x65: {  	_ =	shalt  }
0x66: {  	_ =	shalt  }
0x67: {  	_ =	shalt  }
0x68: {  	_ =	shalt  }
0x69: {  	_ =	shalt  }
0x6a: {  	_ =	shalt  }
0x6b: {  	_ =	shalt  }
0x6c: {  	_ =	shalt  }
0x6d: {  	_ =	shalt  }
0x6e: {  	_ =	shalt  }
0x6f: {  	_ =	shalt  }
0x70: {  	_ =	shalt  }
0x71: {  	_ =	shalt  }
0x72: {  	_ =	shalt  }
0x73: {  	_ =	shalt  }
0x74: {  	_ =	shalt  }
0x75: {  	_ =	shalt  }
0x76: {  	_ =	shalt  }
0x77: {  	_ =	shalt  }
0x78: {  	_ =	shalt  }
0x79: {  	_ =	shalt  }
0x7a: {  	_ =	shalt  }
0x7b: {  	_ =	shalt  }
0x7c: {  	_ =	shalt  }
0x7d: {  	_ =	shalt  }
0x7e: {  	_ =	shalt  }
0x7f: {  	_ =	shalt  }
0x80: {  	_ =	shalt  }
0x81: {  	_ =	shalt  }
0x82: {  	_ =	shalt  }
0x83: {  	_ =	shalt  }
0x84: {  	_ =	shalt  }
0x85: {  	_ =	shalt  }
0x86: {  	_ =	shalt  }
0x87: {  	_ =	shalt  }
.Lfunc_end0:
.L_simem_size_0:
called_computation.1_lowered:
.L_overlay_start_0:
0x88: {  	s2 =	sld [smem:$0x3FD9]  }
0x89: {  	s3 =	sld [smem:$0x3FFE];
	_ =	sdelay $0x1  }
0x8a: {  	s1 =	srdreg.scid  }
0x8b: {  	s0 =	sand.u32 $0x1, s1  }
0x8c: {  	s16 =	sshll.u32 s0, $0xA;
	s2 =	sadd.s32 s3, s2  }
0x8d: {  	s2 =	sadd.s32 s2, s16  }
0x8e: {  	[smem:$0x3FC3] =	sst s2  }
0x8f: {  	_ = 	snop  }
0x90: {  	(tm) =	ssettm $0x1  }
0x91: {  	s17 =	sld [smem:$0x3FFB];
	_ =	sdelay $0x3  }
0x92: {  	_ =	strace s17  }
0x93: {  	s2 =	sld [smem:$0x3FFC];
	_ =	sdelay $0x3  }
0x94: {  	_ =	strace s2  }
0x95: {  	s2 =	sld [smem:$0x3FFD];
	_ =	sdelay $0x3  }
0x96: {  	_ =	strace s2  }
0x97: {  	_ =	strace $0x8FFFFFFF  }
0x98: {  	s18 =	sld [smem:$0x3FDB];
	_ =	sdelay $0x1  }
0x99: {  	s19 =	simm.s32 $_scs_section_size  }
0x9a: {  	s4 =	simm.s32 $_size__tile_overlayer_lowered;
	s5 =	simm.s32 $_tile_overlayer_lowered  }
0x9b: {  	s22 =	simm.s32 $0x1BFF;
	s21 =	sshll.u32 s5, $0x1;
	s2 =	sadd.s32 s19, s18  }
0x9c: {  	s6 =	simm.s32 $0x0;
	s20 =	sshll.u32 s4, $0x1;
	s4 =	sadd.s32 s21, s2  }
0x9d: {  	[timem:s6], [sflag:s22] =	dma.local [hbm:s4], s20  }
0x9e: {  	_ =	swait.ge [sflag:s22], s20  }
0x9f: {  	s3 =	ssub.s32 $0x0, s20;
	[sflag:s22] =	ssyncset.done $0x0  }
0xa0: {  	[sflag:s22] =	ssyncadd.s32 s3;
	_ =	sdelay $0x1  }
0xa1: {  	s23 =	simm.s32 $0x1B8B  }
0xa2: {  	_ =	swait.ge [sflag:s23], $0x1  }
0xa3: {  	[sflag:s23] =	ssyncset.done $0x0  }
0xa4: {  	s25 =	simm.s32 $0x1B8E;
	s24 =	sld [smem:$0x3FFE];
	[sflag:s23] =	ssyncadd.s32 $0xFFFFFFFF  }
0xa5: {  	s26 =	simm.s32 $execute0_lowered;
	[smem:$0x3FD2] =	sst s25  }
0xa6: {  	s4 =	sshll.u32 s26, $0x1;
	_ =	strace $0x80000049;
	[dreg:$0x1] =	wrdreg $0xFFFFFFFF  }
0xa7: {  	s28 =	simm.s32 $_size_execute0_lowered;
	s2 =	sadd.s32 s2, s4;
	[dreg:$0x0] =	wrdreg $0x0  }
0xa8: {  	s4 =	sshll.u32 s28, $0x1;
	[dreg:$0x2] =	wrdreg s2  }
0xa9: {  	[dreg:$0x3] =	wrdreg s4  }
0xaa: {  	[dreg:$0x4] =	wrdreg $0xC0  }
0xab: {  	_ =	task [dreg:s6], $0x5FFFF  }
0xac: {  	[dreg:$0x1] =	wrdreg $0xFFFFFFFF  }
0xad: {  	[dreg:$0x0] =	wrdreg $0x60  }
0xae: {  	[dreg:$0x2] =	wrdreg s24  }
0xaf: {  	[dreg:$0x3] =	wrdreg $0x9  }
0xb0: {  	_ =	task.clear_ibuf [dreg:s6], $0x4FFFF;
	_ =	strace $0x90000049  }
0xb1: {  	s29 =	simm.s32 $0x9;
	_ =	strace $0x8000004B  }
0xb2: {  	_ =	swait.ge [sflag:s29], $0x1  }
0xb3: {  	[sflag:s29] =	ssyncadd.s32 $0xFFFFFFFF  }
0xb4: {  	_ =	strace $0x9000004B  }
0xb5: {  	_ =	sfence  }
0xb6: {  	s30 =	sld [smem:$0x0];
	_ =	sdelay $0x2  }
0xb7: {  	s31 =	sshll.u32 s1, $0xD;
	s1 =	sshrl.u32 s1, $0x2  }
0xb8: {  	s3 =	sand.u32 $0x4000, s31;
	s1 =	sadd.s32 s1, s30  }
0xb9: {  	s0 =	sor.u32 s3, s0;
	s1 =	sshll.u32 s1, $0x11  }
0xba: {  	s0 =	sor.u32 s1, s0  }
0xbb: {  	s0 =	sadd.s32 $0x8F2B, s0  }
0xbc: {  	[sflag:s0] =	ssyncadd.remote.s32 $0x1  }
0xbd: {  	_ =	sfence.sel $0xFFFF  }
0xbe: {  	[dreg:$0x0] =	wrdreg $0xFFFFFFFF;
	(pc) =	sbr.abs _section_cstart, $3  }
0xbf: {  	[dreg:$0x1] =	wrdreg $0xFFFFFFFF  }
0xc0: {  	_ =	task.clear_ibuf [dreg:s6], $0x2FFFF;
	_ =	strace $0x9FFFFFFF  }
0xc1: {  	(tm) =	ssettm $0x7FFFFFFF  }
tec
execute0_lowered:
.L_overlay_start_1:
0x0: {  	(tag) =	ssettag $0x1  }
0x1: {  	s1 =	srdreg.scid  }
0x2: {  	s0 =	stileid.u32;
	s1 =	sand.u32 $0x1, s1  }
0x3: {  	s2 =	sshll.u32 s0, $0x5;
	s3 =	sshll.u32 s1, $0x4  }
0x4: {  	s5 =	rddreg [dreg:$0x0];
	s3 =	sor.u32 s3, s2;
	s2 =	simm.s32 $0x0  }
0x5: {  	s4 =	smul.u32 $0x300, s3;
	[smem:$0x7FF] =	sst s2;
	s3 =	sadd.s32 s5, s3  }
0x6: {  	s26 =	simm.s32 $0x880;
	_ =	strace $0x8000004A;
	[dreg:$0x2] =	wrdreg s3  }
0x7: {  	s0 =	simm.s32 $0x1080;
	[dreg:$0x4] =	wrdreg s26  }
0x8: {  	s6 =	simm.s32 $0x2080;
	[dreg:$0x5] =	wrdreg s0  }
0x9: {  	s7 =	simm.s32 $0x2880;
	[dreg:$0x7] =	wrdreg s6  }
0xa: {  	s8 =	simm.s32 $0x3080;
	[dreg:$0x8] =	wrdreg s7  }
0xb: {  	s9 =	simm.s32 $0x3880;
	[dreg:$0x9] =	wrdreg s8  }
0xc: {  	s10 =	simm.s32 $0x4080;
	[dreg:$0xa] =	wrdreg s9  }
0xd: {  	s11 =	simm.s32 $0x4880;
	[dreg:$0xb] =	wrdreg s10  }
0xe: {  	s12 =	simm.s32 $0x5080;
	[dreg:$0xc] =	wrdreg s11  }
0xf: {  	s13 =	simm.s32 $0x5880;
	[dreg:$0xd] =	wrdreg s12  }
0x10: {  	s14 =	simm.s32 $0x6080;
	[dreg:$0xe] =	wrdreg s13  }
0x11: {  	s15 =	simm.s32 $0x6880;
	[dreg:$0xf] =	wrdreg s14  }
0x12: {  	s16 =	simm.s32 $0x7080;
	[dreg:$0x10] =	wrdreg s15  }
0x13: {  	s17 =	simm.s32 $0x7880;
	[dreg:$0x11] =	wrdreg s16  }
0x14: {  	s18 =	simm.s32 $0x8080;
	s19 =	simm.s32 $0x8880;
	[dreg:$0x12] =	wrdreg s17  }
0x15: {  	s20 =	simm.s32 $0x9080;
	s21 =	simm.s32 $0x9880;
	[dreg:$0x13] =	wrdreg s18  }
0x16: {  	s22 =	simm.s32 $0xA080;
	s23 =	simm.s32 $0xA880;
	[dreg:$0x14] =	wrdreg s19  }
0x17: {  	s24 =	simm.s32 $0xB880;
	s28 =	simm.s32 $0x16080;
	[dreg:$0x15] =	wrdreg s20  }
0x18: {  	s29 =	simm.s32 $0x16880;
	s30 =	simm.s32 $0x17080;
	[dreg:$0x16] =	wrdreg s21  }
0x19: {  	s31 =	simm.s32 $0x17880;
	s1 =	ssub.s32 $0x2, s1;
	[dreg:$0x17] =	wrdreg s22  }
0x1a: {  	s3 =	sadd.s32 $0x11D200, s5;
	s6 =	sshrl.u32 s1, $0x1;
	[dreg:$0x18] =	wrdreg s23  }
0x1b: {  	s7 =	simm.s32 $0xB080;
	[dreg:$0x1a] =	wrdreg s24;
	s8 =	simm.s32 $0x80  }
0x1c: {  	s26 =	simm.s32 $0xC880;
	s10 =	simm.s32 $0xD880;
	s11 =	simm.s32 $0xE080  }
0x1d: {  	s12 =	simm.s32 $0xE880;
	s13 =	simm.s32 $0xF080;
	s14 =	simm.s32 $0xF880  }
0x1e: {  	s15 =	simm.s32 $0x10080;
	s16 =	simm.s32 $0x10880;
	s17 =	simm.s32 $0x11080  }
0x1f: {  	s18 =	simm.s32 $0x11880;
	s19 =	simm.s32 $0x12080;
	s20 =	simm.s32 $0x12880  }
0x20: {  	s21 =	simm.s32 $0x13080;
	s22 =	simm.s32 $0x13880;
	s23 =	simm.s32 $0x14080  }
0x21: {  	s24 =	simm.s32 $0x14880;
	s4 =	sadd.s32 s4, s5;
	[dreg:$0x19] =	wrdreg s7  }
0x22: {  	s1 =	ssub.s32 s1, s6;
	s7 =	simm.s32 $0x2;
	[dreg:$0x1c] =	wrdreg s26  }
0x23: {  	s26 =	simm.s32 $0x15880;
	s25 =	sadd.s32 $0x200, s4;
	s4 =	simm.s32 $0x1880  }
0x24: {  	v2 =	vlaneseq.u32;
	s6 =	smax.u32 s1, $0x1;
	s1 =	simm.s32 $0x1;
	[dreg:$0x3] =	wrdreg s25  }
0x25: {  	vm0 =	vmmov $0xffff;
	v1 =	vshrl.u32 v2, $0x3;
	[dreg:$0x6] =	wrdreg s4;
	s4 =	sadd.s32 $0x11D300, s5;
	s25 =	simm.s32 $0xC080  }
0x26: {  	v0 =	vand.u32 $0x7, v2;
	v2 =	vor.u32 $0x8, v2;
	v1 =	vmul.u32 $0x8, v1;
	s5 =	sadd.s32 $0x11D400, s5;
	[dreg:$0x1b] =	wrdreg s25;
	s25 =	simm.s32 $0x15080  }
.LBB2_1:
0x27: {  	s0 =	rddreg [dreg:$0x2]  }
0x28: {  	[tilespmem:s2], [sflag:$0x2] =	stream.linear.gather [hbm4b:s0+s2], $0x80, $0x38;
	[tilespmem:$0x18080] =	vst v63  }
0x29: {  	_ =	swait.ge [sflag:s7], $0x80  }
0x2a: {  	[sflag:s7] =	ssyncset.done $0x0  }
0x2b: {  	[sflag:s7] =	ssyncadd.s32 $0xFFFFFF80  }
0x2c: {  	v3 =	vld [tilespmem:$0x0];
	_ =	sdelay $0x4  }
0x2d: {  	v4 =	vshrl.u32 v3, $0x3  }
0x2e: {  	v4 =	vmul.u32 $0x30, v4  }
0x2f: {  	v3 =	vand.u32 $0x7, v3  }
0x30: {  	v3 =	vor.u32 v3, v4  }
0x31: {  	v4 =	vperm.xlane v3, v0;
	_ =	sdelay $0x1  }
0x32: {  	v4 =	vadd.s32 v1, v4;
	_ =	sdelay $0x3  }
0x33: {  	v3 =	vperm.xlane v3, v2  }
0x34: {  	[tilespmem:s8], [sflag:$0x1] =	stream.indirect_vreg.gather [hbm4b:s3+s2], $0x80, v4, vm0, $0xb8;
	[tilespmem:$0x18080] =	vst v63  }
0x35: {  	s0 =	rddreg [dreg:$0x4];
	v3 =	vadd.s32 v1, v3  }
0x36: {  	[tilespmem:s0], [sflag:$0x1] =	stream.indirect_vreg.gather [hbm4b:s4+s2], $0x80, v4, vm0, $0xb8;
	[tilespmem:$0x18080] =	vst v63  }
0x37: {  	s9 =	rddreg [dreg:$0x5]  }
0x38: {  	[tilespmem:s9], [sflag:$0x1] =	stream.indirect_vreg.gather [hbm4b:s5+s2], $0x80, v4, vm0, $0xb8;
	[tilespmem:$0x18080] =	vst v63  }
0x39: {  	s0 =	rddreg [dreg:$0x6]  }
0x3a: {  	[tilespmem:s0], [sflag:$0x1] =	stream.indirect_vreg.gather [hbm4b:s3+s2], $0x80, v3, vm0, $0xb8;
	[tilespmem:$0x18080] =	vst v63  }
0x3b: {  	s9 =	rddreg [dreg:$0x7]  }
0x3c: {  	[tilespmem:s9], [sflag:$0x1] =	stream.indirect_vreg.gather [hbm4b:s4+s2], $0x80, v3, vm0, $0xb8;
	[tilespmem:$0x18080] =	vst v63  }
0x3d: {  	s0 =	rddreg [dreg:$0x8]  }
0x3e: {  	[tilespmem:s0], [sflag:$0x1] =	stream.indirect_vreg.gather [hbm4b:s5+s2], $0x80, v3, vm0, $0xb8;
	[tilespmem:$0x18080] =	vst v63  }
0x3f: {  	v3 =	vld [tilespmem:$0x10];
	_ =	sdelay $0x4  }
0x40: {  	v57 =	vshrl.u32 v3, $0x3  }
0x41: {  	v4 =	vmul.u32 $0x30, v57  }
0x42: {  	v3 =	vand.u32 $0x7, v3  }
0x43: {  	v3 =	vor.u32 v3, v4  }
0x44: {  	v4 =	vperm.xlane v3, v0;
	_ =	sdelay $0x1  }
0x45: {  	v4 =	vadd.s32 v1, v4;
	_ =	sdelay $0x3  }
0x46: {  	s0 =	rddreg [dreg:$0x9];
	v3 =	vperm.xlane v3, v2  }
0x47: {  	[tilespmem:s0], [sflag:$0x1] =	stream.indirect_vreg.gather [hbm4b:s3+s2], $0x80, v4, vm0, $0xb8;
	[tilespmem:$0x18080] =	vst v63  }
0x48: {  	s9 =	rddreg [dreg:$0xa];
	v3 =	vadd.s32 v1, v3  }
0x49: {  	[tilespmem:s9], [sflag:$0x1] =	stream.indirect_vreg.gather [hbm4b:s4+s2], $0x80, v4, vm0, $0xb8;
	[tilespmem:$0x18080] =	vst v63  }
0x4a: {  	s0 =	rddreg [dreg:$0xb]  }
0x4b: {  	[tilespmem:s0], [sflag:$0x1] =	stream.indirect_vreg.gather [hbm4b:s5+s2], $0x80, v4, vm0, $0xb8;
	[tilespmem:$0x18080] =	vst v63  }
0x4c: {  	s9 =	rddreg [dreg:$0xc]  }
0x4d: {  	[tilespmem:s9], [sflag:$0x1] =	stream.indirect_vreg.gather [hbm4b:s3+s2], $0x80, v3, vm0, $0xb8;
	[tilespmem:$0x18080] =	vst v63  }
0x4e: {  	s0 =	rddreg [dreg:$0xd]  }
0x4f: {  	[tilespmem:s0], [sflag:$0x1] =	stream.indirect_vreg.gather [hbm4b:s4+s2], $0x80, v3, vm0, $0xb8;
	[tilespmem:$0x18080] =	vst v63  }
0x50: {  	s9 =	rddreg [dreg:$0xe]  }
0x51: {  	[tilespmem:s9], [sflag:$0x1] =	stream.indirect_vreg.gather [hbm4b:s5+s2], $0x80, v3, vm0, $0xb8;
	[tilespmem:$0x18080] =	vst v63  }
0x52: {  	v3 =	vld [tilespmem:$0x20];
	_ =	sdelay $0x4  }
0x53: {  	v58 =	vshrl.u32 v3, $0x3  }
0x54: {  	v4 =	vmul.u32 $0x30, v58  }
0x55: {  	v3 =	vand.u32 $0x7, v3  }
0x56: {  	v3 =	vor.u32 v3, v4  }
0x57: {  	v4 =	vperm.xlane v3, v0;
	_ =	sdelay $0x1  }
0x58: {  	v4 =	vadd.s32 v1, v4;
	_ =	sdelay $0x3  }
0x59: {  	s0 =	rddreg [dreg:$0xf];
	v3 =	vperm.xlane v3, v2  }
0x5a: {  	[tilespmem:s0], [sflag:$0x1] =	stream.indirect_vreg.gather [hbm4b:s3+s2], $0x80, v4, vm0, $0xb8;
	[tilespmem:$0x18080] =	vst v63  }
0x5b: {  	s9 =	rddreg [dreg:$0x10];
	v3 =	vadd.s32 v1, v3  }
0x5c: {  	[tilespmem:s9], [sflag:$0x1] =	stream.indirect_vreg.gather [hbm4b:s4+s2], $0x80, v4, vm0, $0xb8;
	[tilespmem:$0x18080] =	vst v63  }
0x5d: {  	s0 =	rddreg [dreg:$0x11]  }
0x5e: {  	[tilespmem:s0], [sflag:$0x1] =	stream.indirect_vreg.gather [hbm4b:s5+s2], $0x80, v4, vm0, $0xb8;
	[tilespmem:$0x18080] =	vst v63  }
0x5f: {  	s9 =	rddreg [dreg:$0x12]  }
0x60: {  	[tilespmem:s9], [sflag:$0x1] =	stream.indirect_vreg.gather [hbm4b:s3+s2], $0x80, v3, vm0, $0xb8;
	[tilespmem:$0x18080] =	vst v63  }
0x61: {  	s0 =	rddreg [dreg:$0x13]  }
0x62: {  	[tilespmem:s0], [sflag:$0x1] =	stream.indirect_vreg.gather [hbm4b:s4+s2], $0x80, v3, vm0, $0xb8;
	[tilespmem:$0x18080] =	vst v63  }
0x63: {  	s9 =	rddreg [dreg:$0x14]  }
0x64: {  	[tilespmem:s9], [sflag:$0x1] =	stream.indirect_vreg.gather [hbm4b:s5+s2], $0x80, v3, vm0, $0xb8;
	[tilespmem:$0x18080] =	vst v63  }
0x65: {  	v3 =	vld [tilespmem:$0x30];
	_ =	sdelay $0x4  }
0x66: {  	v59 =	vshrl.u32 v3, $0x3  }
0x67: {  	v4 =	vmul.u32 $0x30, v59  }
0x68: {  	v3 =	vand.u32 $0x7, v3  }
0x69: {  	v3 =	vor.u32 v3, v4  }
0x6a: {  	v4 =	vperm.xlane v3, v0;
	_ =	sdelay $0x1  }
0x6b: {  	v4 =	vadd.s32 v1, v4;
	_ =	sdelay $0x3  }
0x6c: {  	s0 =	rddreg [dreg:$0x15];
	v3 =	vperm.xlane v3, v2  }
0x6d: {  	[tilespmem:s0], [sflag:$0x1] =	stream.indirect_vreg.gather [hbm4b:s3+s2], $0x80, v4, vm0, $0xb8;
	[tilespmem:$0x18080] =	vst v63  }
0x6e: {  	s9 =	rddreg [dreg:$0x16];
	v3 =	vadd.s32 v1, v3  }
0x6f: {  	[tilespmem:s9], [sflag:$0x1] =	stream.indirect_vreg.gather [hbm4b:s4+s2], $0x80, v4, vm0, $0xb8;
	[tilespmem:$0x18080] =	vst v63  }
0x70: {  	s0 =	rddreg [dreg:$0x17]  }
0x71: {  	[tilespmem:s0], [sflag:$0x1] =	stream.indirect_vreg.gather [hbm4b:s5+s2], $0x80, v4, vm0, $0xb8;
	[tilespmem:$0x18080] =	vst v63  }
0x72: {  	s9 =	rddreg [dreg:$0x18]  }
0x73: {  	[tilespmem:s9], [sflag:$0x1] =	stream.indirect_vreg.gather [hbm4b:s3+s2], $0x80, v3, vm0, $0xb8;
	[tilespmem:$0x18080] =	vst v63  }
0x74: {  	s0 =	rddreg [dreg:$0x19]  }
0x75: {  	[tilespmem:s0], [sflag:$0x1] =	stream.indirect_vreg.gather [hbm4b:s4+s2], $0x80, v3, vm0, $0xb8;
	[tilespmem:$0x18080] =	vst v63  }
0x76: {  	s9 =	rddreg [dreg:$0x1a]  }
0x77: {  	[tilespmem:s9], [sflag:$0x1] =	stream.indirect_vreg.gather [hbm4b:s5+s2], $0x80, v3, vm0, $0xb8;
	[tilespmem:$0x18080] =	vst v63  }
0x78: {  	v3 =	vld [tilespmem:$0x40];
	_ =	sdelay $0x4  }
0x79: {  	v60 =	vshrl.u32 v3, $0x3  }
0x7a: {  	v4 =	vmul.u32 $0x30, v60  }
0x7b: {  	v3 =	vand.u32 $0x7, v3  }
0x7c: {  	v3 =	vor.u32 v3, v4  }
0x7d: {  	v4 =	vperm.xlane v3, v0;
	_ =	sdelay $0x1  }
0x7e: {  	v4 =	vadd.s32 v1, v4;
	_ =	sdelay $0x3  }
0x7f: {  	s0 =	rddreg [dreg:$0x1b];
	v3 =	vperm.xlane v3, v2  }
0x80: {  	[tilespmem:s0], [sflag:$0x1] =	stream.indirect_vreg.gather [hbm4b:s3+s2], $0x80, v4, vm0, $0xb8;
	[tilespmem:$0x18080] =	vst v63  }
0x81: {  	s9 =	rddreg [dreg:$0x1c];
	v3 =	vadd.s32 v1, v3  }
0x82: {  	[tilespmem:s9], [sflag:$0x1] =	stream.indirect_vreg.gather [hbm4b:s4+s2], $0x80, v4, vm0, $0xb8;
	[tilespmem:$0x18080] =	vst v63  }
0x83: {  	s9 =	simm.s32 $0xD080  }
0x84: {  	[tilespmem:s9], [sflag:$0x1] =	stream.indirect_vreg.gather [hbm4b:s5+s2], $0x80, v4, vm0, $0xb8;
	[tilespmem:$0x18080] =	vst v63  }
0x85: {  	_ = 	snop  }
0x86: {  	[tilespmem:s10], [sflag:$0x1] =	stream.indirect_vreg.gather [hbm4b:s3+s2], $0x80, v3, vm0, $0xb8;
	[tilespmem:$0x18080] =	vst v63  }
0x87: {  	_ = 	snop  }
0x88: {  	[tilespmem:s11], [sflag:$0x1] =	stream.indirect_vreg.gather [hbm4b:s4+s2], $0x80, v3, vm0, $0xb8;
	[tilespmem:$0x18080] =	vst v63  }
0x89: {  	_ = 	snop  }
0x8a: {  	[tilespmem:s12], [sflag:$0x1] =	stream.indirect_vreg.gather [hbm4b:s5+s2], $0x80, v3, vm0, $0xb8;
	[tilespmem:$0x18080] =	vst v63  }
0x8b: {  	v3 =	vld [tilespmem:$0x50];
	_ =	sdelay $0x4  }
0x8c: {  	v61 =	vshrl.u32 v3, $0x3  }
0x8d: {  	v4 =	vmul.u32 $0x30, v61  }
0x8e: {  	v3 =	vand.u32 $0x7, v3  }
0x8f: {  	v3 =	vor.u32 v3, v4  }
0x90: {  	v4 =	vperm.xlane v3, v0;
	_ =	sdelay $0x1  }
0x91: {  	v4 =	vadd.s32 v1, v4;
	_ =	sdelay $0x3  }
0x92: {  	v3 =	vperm.xlane v3, v2  }
0x93: {  	[tilespmem:s13], [sflag:$0x1] =	stream.indirect_vreg.gather [hbm4b:s3+s2], $0x80, v4, vm0, $0xb8;
	[tilespmem:$0x18080] =	vst v63  }
0x94: {  	v3 =	vadd.s32 v1, v3  }
0x95: {  	[tilespmem:s14], [sflag:$0x1] =	stream.indirect_vreg.gather [hbm4b:s4+s2], $0x80, v4, vm0, $0xb8;
	[tilespmem:$0x18080] =	vst v63  }
0x96: {  	_ = 	snop  }
0x97: {  	[tilespmem:s15], [sflag:$0x1] =	stream.indirect_vreg.gather [hbm4b:s5+s2], $0x80, v4, vm0, $0xb8;
	[tilespmem:$0x18080] =	vst v63  }
0x98: {  	_ = 	snop  }
0x99: {  	[tilespmem:s16], [sflag:$0x1] =	stream.indirect_vreg.gather [hbm4b:s3+s2], $0x80, v3, vm0, $0xb8;
	[tilespmem:$0x18080] =	vst v63  }
0x9a: {  	_ = 	snop  }
0x9b: {  	[tilespmem:s17], [sflag:$0x1] =	stream.indirect_vreg.gather [hbm4b:s4+s2], $0x80, v3, vm0, $0xb8;
	[tilespmem:$0x18080] =	vst v63  }
0x9c: {  	_ = 	snop  }
0x9d: {  	[tilespmem:s18], [sflag:$0x1] =	stream.indirect_vreg.gather [hbm4b:s5+s2], $0x80, v3, vm0, $0xb8;
	[tilespmem:$0x18080] =	vst v63  }
0x9e: {  	v3 =	vld [tilespmem:$0x60];
	_ =	sdelay $0x4  }
0x9f: {  	v62 =	vshrl.u32 v3, $0x3  }
0xa0: {  	v4 =	vmul.u32 $0x30, v62  }
0xa1: {  	v3 =	vand.u32 $0x7, v3  }
0xa2: {  	v3 =	vor.u32 v3, v4  }
0xa3: {  	v4 =	vperm.xlane v3, v0;
	_ =	sdelay $0x1  }
0xa4: {  	v4 =	vadd.s32 v1, v4;
	_ =	sdelay $0x3  }
0xa5: {  	v3 =	vperm.xlane v3, v2  }
0xa6: {  	[tilespmem:s19], [sflag:$0x1] =	stream.indirect_vreg.gather [hbm4b:s3+s2], $0x80, v4, vm0, $0xb8;
	[tilespmem:$0x18080] =	vst v63  }
0xa7: {  	v3 =	vadd.s32 v1, v3  }
0xa8: {  	[tilespmem:s20], [sflag:$0x1] =	stream.indirect_vreg.gather [hbm4b:s4+s2], $0x80, v4, vm0, $0xb8;
	[tilespmem:$0x18080] =	vst v63  }
0xa9: {  	_ = 	snop  }
0xaa: {  	[tilespmem:s21], [sflag:$0x1] =	stream.indirect_vreg.gather [hbm4b:s5+s2], $0x80, v4, vm0, $0xb8;
	[tilespmem:$0x18080] =	vst v63  }
0xab: {  	_ = 	snop  }
0xac: {  	[tilespmem:s22], [sflag:$0x1] =	stream.indirect_vreg.gather [hbm4b:s3+s2], $0x80, v3, vm0, $0xb8;
	[tilespmem:$0x18080] =	vst v63  }
0xad: {  	_ = 	snop  }
0xae: {  	[tilespmem:s23], [sflag:$0x1] =	stream.indirect_vreg.gather [hbm4b:s4+s2], $0x80, v3, vm0, $0xb8;
	[tilespmem:$0x18080] =	vst v63  }
0xaf: {  	_ = 	snop  }
0xb0: {  	[tilespmem:s24], [sflag:$0x1] =	stream.indirect_vreg.gather [hbm4b:s5+s2], $0x80, v3, vm0, $0xb8;
	[tilespmem:$0x18080] =	vst v63  }
0xb1: {  	v3 =	vld [tilespmem:$0x70];
	_ =	sdelay $0x4  }
0xb2: {  	v63 =	vshrl.u32 v3, $0x3  }
0xb3: {  	v4 =	vmul.u32 $0x30, v63  }
0xb4: {  	v3 =	vand.u32 $0x7, v3  }
0xb5: {  	v3 =	vor.u32 v3, v4  }
0xb6: {  	v4 =	vperm.xlane v3, v0;
	_ =	sdelay $0x1  }
0xb7: {  	v4 =	vadd.s32 v1, v4;
	_ =	sdelay $0x3  }
0xb8: {  	v3 =	vperm.xlane v3, v2  }
0xb9: {  	[tilespmem:s25], [sflag:$0x1] =	stream.indirect_vreg.gather [hbm4b:s3+s2], $0x80, v4, vm0, $0xb8;
	[tilespmem:$0x18080] =	vst v63  }
0xba: {  	v3 =	vadd.s32 v1, v3  }
0xbb: {  	[tilespmem:s26], [sflag:$0x1] =	stream.indirect_vreg.gather [hbm4b:s4+s2], $0x80, v4, vm0, $0xb8;
	[tilespmem:$0x18080] =	vst v63  }
0xbc: {  	_ = 	snop  }
0xbd: {  	[tilespmem:s28], [sflag:$0x1] =	stream.indirect_vreg.gather [hbm4b:s5+s2], $0x80, v4, vm0, $0xb8;
	[tilespmem:$0x18080] =	vst v63  }
0xbe: {  	_ = 	snop  }
0xbf: {  	[tilespmem:s29], [sflag:$0x1] =	stream.indirect_vreg.gather [hbm4b:s3+s2], $0x80, v3, vm0, $0xb8;
	[tilespmem:$0x18080] =	vst v63  }
0xc0: {  	_ = 	snop  }
0xc1: {  	[tilespmem:s30], [sflag:$0x1] =	stream.indirect_vreg.gather [hbm4b:s4+s2], $0x80, v3, vm0, $0xb8;
	[tilespmem:$0x18080] =	vst v63  }
0xc2: {  	_ = 	snop  }
0xc3: {  	[tilespmem:s31], [sflag:$0x1] =	stream.indirect_vreg.gather [hbm4b:s5+s2], $0x80, v3, vm0, $0xb8;
	[tilespmem:$0x18080] =	vst v63  }
0xc4: {  	_ =	swait.ge [sflag:s1], $0x18000  }
0xc5: {  	p0 =	sne.s32 s6, $0x1;
	[sflag:s1] =	ssyncset.done $0x0  }
.Ltmp0:
0xc6: {  	s9 =	rddreg [dreg:$0x3];
	[sflag:s1] =	ssyncadd.s32 $0xFFFE8000;
	(pc) =	sbr.rel @p0 .LBB2_1-.Ltmp0, $4  }
0xc7: {  	[hbm4b:s9+s2] =	stream.linear.scatter [tilespmem:s8], [sflag:$0x2], $0x18000, $0x38;
	[tilespmem:$0x18080] =	vst v63  }
0xc8: {  	_ =	swait.ge [sflag:s7], $0x18000  }
0xc9: {  	[sflag:s7] =	ssyncset.done $0x0  }
0xca: {  	s6 =	sadd.s32 $0xFFFFFFFF, s6;
	[sflag:s7] =	ssyncadd.s32 $0xFFFE8000  }
0xcb: {  	_ =	sfence.sel $0x180000  }
0xcc: {  	[bflag:$0x0] =	sbarrier.arrive $0xFFFF  }
0xcd: {  	_ =	strace $0x9000004A  }
0xce: {  	s0 =	stileid.u32;
	[bflag:$0x2] =	sbarrier.arrive $0xFFFF  }
0xcf: {  	p0 =	sne.s32 s0, $0x0;
	s0 =	rddreg [dreg:$0x1]  }
0xd0: {  	s0 =	sadd.s32 @!p0 $0x100000, s0  }
0xd1: {  	[sflag:s0] =	ssyncadd.tile.s32 @!p0 $0x1;
	_ =	shalt  }
.Lfunc_end2:
_tile_overlayer_lowered:
.L_overlay_start_2:
0xd2: {  	(tag) =	ssettag $0x2  }
0xd3: {  	s0 =	rddreg [dreg:$0x0];
	s2 =	stileid.u32  }
0xd4: {  	s1 =	rddreg [dreg:$0x1];
	p0 =	sne.s32 s2, $0x0  }
0xd5: {  	s3 =	rddreg [dreg:$0x2];
	[bflag:$0x3] =	sbarrier.arrive $0xFFFF;
	s2 =	simm.s32 @!p0 $0x1C02  }
0xd6: {  	[timem:s3], [sflag:s2] =	dma.local @!p0 [hbm:s0], s1  }
0xd7: {  	s0 =	simm.s32 @!p0 $0x2  }
0xd8: {  	_ =	swait.ge @!p0 [sflag:s0], s1  }
0xd9: {  	s1 =	ssub.s32 @!p0 $0x0, s1;
	[sflag:s0] =	ssyncset.done @!p0 $0x0  }
0xda: {  	[sflag:s0] =	ssyncadd.s32 @!p0 s1  }
0xdb: {  	[bflag:$0x3] =	sbarrier.arrive $0xFFFF  }
0xdc: {  	_ =	shalt  }

// kernel: kernel.7.cloned.1.call-start
scs
__scs_entry_jumppad:
0x0: {  	(pc) =	sbr.rel $0x88, $3  }
0x1: {  	(tag) =	ssettag $0x0;
	lr =	simm.s32 $0x1  }
0x2: {  	[smem:$0x3F9C] =	sst lr;
	_ =	strace $0xD0000000  }
0x3: {  	_ = 	snop  }
0x4: {  	_ = 	snop  }
0x5: {  	_ = 	snop  }
0x6: {  	_ = 	snop  }
0x7: {  	_ = 	snop  }
__scs_overlays_trampoline_lowered:
0x8: {  	[smem:$0x3FAB] =	sst s0  }
0x9: {  	[smem:$0x3FAC] =	sst s1  }
0xa: {  	[smem:$0x3FAD] =	sst s2  }
0xb: {  	[smem:$0x3FAE] =	sst s3  }
0xc: {  	[smem:$0x3FAF] =	sst s4  }
0xd: {  	[smem:$0x3FB0] =	sst s5  }
0xe: {  	[smem:$0x3FB1] =	sst s6  }
0xf: {  	[smem:$0x3FB2] =	sst s7  }
0x10: {  	[smem:$0x3FB3] =	sst s8  }
0x11: {  	[smem:$0x3FB4] =	sst s9;
	s0 =	simm.s32 @!p0 $0x0  }
0x12: {  	s1 =	sld [smem:$0x3F9A];
	s0 =	simm.s32 @p0 $0x1  }
0x13: {  	[smem:$0x3FB5] =	sst s0;
	s0 =	simm.s32 @!p1 $0x0  }
0x14: {  	s2 =	sld [smem:$0x3F99];
	s0 =	simm.s32 @p1 $0x1  }
0x15: {  	[smem:$0x3FB6] =	sst s0;
	s0 =	simm.s32 @!p2 $0x0  }
0x16: {  	s3 =	sld [smem:$0x3FDB];
	s0 =	simm.s32 @p2 $0x1  }
0x17: {  	s4 =	simm.s32 $0x1BF5;
	[smem:$0x3FB8] =	sst s0  }
0x18: {  	s0 =	sld [smem:$0x3F9B];
	_ =	swait.ge [sflag:s4], $0x0  }
0x19: {  	s7 =	sld [smem:$0x3F9C]  }
0x1a: {  	s8 =	sadd.s32 $0xFFFFE003, lr  }
0x1b: {  	s9 =	sadd.s32 $0xFFFFFEF7, lr;
	s5 =	simm.s32 $0xFFFFFFFF;
	p2 =	slt.u32 s8, $0xFFFFF086  }
0x1c: {  	p1 =	slt.u32 s9, $0xF7A;
	s5 =	simm.s32 @!p2 $0x0  }
0x1d: {  	s5 =	simm.s32 @p1 $0x1;
	p0 =	seq.s32 s7, s2  }
0x1e: {  	s7 =	smul.u32 @!p0 $0xF7A, s2;
	p2 =	seq.s32 @!p0 s5, $0x0  }
0x1f: {  	s9 =	smul.u32 $0xF7A, s1;
	s8 =	simm.s32 @!p0 $0x1BF5;
	p2 =	por !p2, p0  }
0x20: {  	[sflag:s8] =	ssyncset.s32 @!p0 $0xFFFFF086;
	s6 =	sadd.s32 @!p0 s3, s7;
	s7 =	simm.s32 @!p0 $0x108  }
0x21: {  	s3 =	sadd.s32 s3, s9;
	s6 =	sadd.s32 @!p0 $0x88, s6;
	s7 =	simm.s32 @p2 $0x1082  }
0x22: {  	[simem:s7], [sflag:s8] =	dma.local @!p0 [hbm:s6], $0xF7A  }
0x23: {  	s9 =	sor.u32 $0xD0000000, s2;
	s6 =	simm.s32 $0x108;
	_ =	swait.ge @!p0 [sflag:s8], $0x0  }
0x24: {  	s3 =	sadd.s32 $0x88, s3;
	s6 =	simm.s32 @!p1 $0x1082;
	[sflag:s4] =	ssyncset.s32 $0xFFFFF086  }
0x25: {  	[simem:s6], [sflag:s4] =	dma.local [hbm:s3], $0xF7A  }
0x26: {  	[smem:$0x3F9C] =	sst s1;
	(tag) =	ssettag s2;
	_ =	strace s9  }
0x27: {  	s1 =	sld [smem:$0x3FAC]  }
0x28: {  	s2 =	sld [smem:$0x3FAD]  }
0x29: {  	s4 =	sld [smem:$0x3FAF]  }
0x2a: {  	p0 =	seq.s32 s5, $0x0;
	s5 =	sld [smem:$0x3FB0]  }
0x2b: {  	s6 =	sld [smem:$0x3FB1]  }
0x2c: {  	s7 =	sld [smem:$0x3FB2]  }
0x2d: {  	s3 =	simm.s32 $0x108;
	s8 =	sld [smem:$0x3FB3]  }
0x2e: {  	s3 =	simm.s32 @!p0 $0x1082;
	s9 =	sld [smem:$0x3FB4]  }
0x2f: {  	lr =	sadd.s32 s0, s3;
	s0 =	sld [smem:$0x3FAB]  }
0x30: {  	s3 =	sld [smem:$0x3FAE]  }
0x31: {  	[smem:$0x3FB7] =	sst s10  }
0x32: {  	s10 =	sld [smem:$0x3FB5];
	_ =	sdelay $0x3  }
0x33: {  	p0 =	seq.s32 s10, $0x1;
	s10 =	sld [smem:$0x3FB7];
	_ =	sdelay $0x3  }
0x34: {  	[smem:$0x3FB7] =	sst s10  }
0x35: {  	s10 =	sld [smem:$0x3FB6];
	_ =	sdelay $0x3  }
0x36: {  	p1 =	seq.s32 s10, $0x1;
	s10 =	sld [smem:$0x3FB7];
	_ =	sdelay $0x3  }
0x37: {  	[smem:$0x3FB7] =	sst s10  }
0x38: {  	s10 =	sld [smem:$0x3FB8]  }
0x39: {  	_ = 	snop;
	(pc) =	sbr.ind lr, $3  }
0x3a: {  	_ = 	snop  }
0x3b: {  	_ = 	snop  }
0x3c: {  	p2 =	seq.s32 s10, $0x1;
	s10 =	sld [smem:$0x3FB7]  }
0x3d: {  	_ =	shalt  }
0x3e: {  	_ =	shalt  }
0x3f: {  	_ =	shalt  }
0x40: {  	_ =	shalt  }
0x41: {  	_ =	shalt  }
0x42: {  	_ =	shalt  }
0x43: {  	_ =	shalt  }
0x44: {  	_ =	shalt  }
0x45: {  	_ =	shalt  }
0x46: {  	_ =	shalt  }
0x47: {  	_ =	shalt  }
0x48: {  	_ =	shalt  }
0x49: {  	_ =	shalt  }
0x4a: {  	_ =	shalt  }
0x4b: {  	_ =	shalt  }
0x4c: {  	_ =	shalt  }
0x4d: {  	_ =	shalt  }
0x4e: {  	_ =	shalt  }
0x4f: {  	_ =	shalt  }
0x50: {  	_ =	shalt  }
0x51: {  	_ =	shalt  }
0x52: {  	_ =	shalt  }
0x53: {  	_ =	shalt  }
0x54: {  	_ =	shalt  }
0x55: {  	_ =	shalt  }
0x56: {  	_ =	shalt  }
0x57: {  	_ =	shalt  }
0x58: {  	_ =	shalt  }
0x59: {  	_ =	shalt  }
0x5a: {  	_ =	shalt  }
0x5b: {  	_ =	shalt  }
0x5c: {  	_ =	shalt  }
0x5d: {  	_ =	shalt  }
0x5e: {  	_ =	shalt  }
0x5f: {  	_ =	shalt  }
0x60: {  	_ =	shalt  }
0x61: {  	_ =	shalt  }
0x62: {  	_ =	shalt  }
0x63: {  	_ =	shalt  }
0x64: {  	_ =	shalt  }
0x65: {  	_ =	shalt  }
0x66: {  	_ =	shalt  }
0x67: {  	_ =	shalt  }
0x68: {  	_ =	shalt  }
0x69: {  	_ =	shalt  }
0x6a: {  	_ =	shalt  }
0x6b: {  	_ =	shalt  }
0x6c: {  	_ =	shalt  }
0x6d: {  	_ =	shalt  }
0x6e: {  	_ =	shalt  }
0x6f: {  	_ =	shalt  }
0x70: {  	_ =	shalt  }
0x71: {  	_ =	shalt  }
0x72: {  	_ =	shalt  }
0x73: {  	_ =	shalt  }
0x74: {  	_ =	shalt  }
0x75: {  	_ =	shalt  }
0x76: {  	_ =	shalt  }
0x77: {  	_ =	shalt  }
0x78: {  	_ =	shalt  }
0x79: {  	_ =	shalt  }
0x7a: {  	_ =	shalt  }
0x7b: {  	_ =	shalt  }
0x7c: {  	_ =	shalt  }
0x7d: {  	_ =	shalt  }
0x7e: {  	_ =	shalt  }
0x7f: {  	_ =	shalt  }
0x80: {  	_ =	shalt  }
0x81: {  	_ =	shalt  }
0x82: {  	_ =	shalt  }
0x83: {  	_ =	shalt  }
0x84: {  	_ =	shalt  }
0x85: {  	_ =	shalt  }
0x86: {  	_ =	shalt  }
0x87: {  	_ =	shalt  }
.Lfunc_end0:
.L_simem_size_0:
called_computation_lowered:
.L_overlay_start_0:
0x88: {  	s2 =	sld [smem:$0x3FD9]  }
0x89: {  	s3 =	sld [smem:$0x3FFE];
	_ =	sdelay $0x1  }
0x8a: {  	s1 =	srdreg.scid  }
0x8b: {  	s0 =	sand.u32 $0x1, s1  }
0x8c: {  	s17 =	sshll.u32 s0, $0xA;
	s2 =	sadd.s32 s3, s2  }
0x8d: {  	s2 =	sadd.s32 s2, s17  }
0x8e: {  	[smem:$0x3FC3] =	sst s2  }
0x8f: {  	_ = 	snop  }
0x90: {  	s2 =	sld [smem:$0x3FC9];
	(tm) =	ssettm $0x1  }
0x91: {  	s18 =	sld [smem:$0x3FFB];
	_ =	sdelay $0x3  }
0x92: {  	_ =	strace s18  }
0x93: {  	s3 =	sld [smem:$0x3FFC];
	_ =	sdelay $0x3  }
0x94: {  	_ =	strace s3  }
0x95: {  	s3 =	sld [smem:$0x3FFD];
	_ =	sdelay $0x3  }
0x96: {  	_ =	strace s3  }
0x97: {  	_ =	strace $0x8FFFFFFF  }
0x98: {  	s19 =	sld [smem:$0x3FDB];
	_ =	sdelay $0x1  }
0x99: {  	s4 =	simm.s32 $_scs_section_size  }
0x9a: {  	s5 =	simm.s32 $_size__tile_overlayer_lowered;
	s6 =	simm.s32 $_tile_overlayer_lowered  }
0x9b: {  	s22 =	simm.s32 $0x1BFF;
	s21 =	sshll.u32 s6, $0x1;
	s3 =	sadd.s32 s4, s19  }
0x9c: {  	s7 =	simm.s32 $0x0;
	s20 =	sshll.u32 s5, $0x1;
	s5 =	sadd.s32 s21, s3  }
0x9d: {  	[timem:s7], [sflag:s22] =	dma.local [hbm:s5], s20  }
0x9e: {  	_ =	swait.ge [sflag:s22], s20  }
0x9f: {  	s4 =	ssub.s32 $0x0, s20;
	[sflag:s22] =	ssyncset.done $0x0  }
0xa0: {  	[sflag:s22] =	ssyncadd.s32 s4;
	_ =	sdelay $0x1  }
0xa1: {  	s23 =	simm.s32 $0x1B8B  }
0xa2: {  	_ =	swait.ge [sflag:s23], $0x1  }
0xa3: {  	[sflag:s23] =	ssyncset.done $0x0  }
0xa4: {  	s25 =	simm.s32 $0x1B8E;
	s24 =	sld [smem:$0x3FFE];
	[sflag:s23] =	ssyncadd.s32 $0xFFFFFFFF  }
0xa5: {  	s26 =	simm.s32 $execute0_lowered;
	[smem:$0x3FD2] =	sst s25  }
0xa6: {  	s5 =	sshll.u32 s26, $0x1;
	_ =	strace $0x80000046;
	[dreg:$0x1] =	wrdreg $0xFFFFFFFF  }
0xa7: {  	s28 =	simm.s32 $_size_execute0_lowered;
	s3 =	sadd.s32 s3, s5;
	[dreg:$0x0] =	wrdreg $0x0  }
0xa8: {  	s5 =	sshll.u32 s28, $0x1;
	[dreg:$0x2] =	wrdreg s3  }
0xa9: {  	[dreg:$0x3] =	wrdreg s5  }
0xaa: {  	[dreg:$0x4] =	wrdreg $0xC0  }
0xab: {  	_ =	task [dreg:s7], $0x5FFFF  }
0xac: {  	[dreg:$0x1] =	wrdreg $0xFFFFFFFF  }
0xad: {  	[dreg:$0x0] =	wrdreg $0x60  }
0xae: {  	[dreg:$0x2] =	wrdreg s2  }
0xaf: {  	[dreg:$0x3] =	wrdreg s24  }
0xb0: {  	[dreg:$0x4] =	wrdreg $0x9  }
0xb1: {  	_ =	task.clear_ibuf [dreg:s7], $0x5FFFF;
	_ =	strace $0x90000046  }
0xb2: {  	s29 =	simm.s32 $0x9;
	_ =	strace $0x80000048  }
0xb3: {  	_ =	swait.ge [sflag:s29], $0x1  }
0xb4: {  	[sflag:s29] =	ssyncadd.s32 $0xFFFFFFFF  }
0xb5: {  	_ =	strace $0x90000048  }
0xb6: {  	_ =	sfence  }
0xb7: {  	s30 =	sld [smem:$0x0];
	_ =	sdelay $0x2  }
0xb8: {  	s31 =	sshll.u32 s1, $0xD;
	s1 =	sshrl.u32 s1, $0x2  }
0xb9: {  	s3 =	sand.u32 $0x4000, s31;
	s1 =	sadd.s32 s1, s30  }
0xba: {  	s0 =	sor.u32 s3, s0;
	s1 =	sshll.u32 s1, $0x11  }
0xbb: {  	s0 =	sor.u32 s1, s0  }
0xbc: {  	s0 =	sadd.s32 $0x8F2B, s0  }
0xbd: {  	[sflag:s0] =	ssyncadd.remote.s32 $0x1  }
0xbe: {  	_ =	sfence.sel $0xFFFF  }
0xbf: {  	[dreg:$0x0] =	wrdreg $0xFFFFFFFF;
	(pc) =	sbr.abs _section_cstart, $3  }
0xc0: {  	[dreg:$0x1] =	wrdreg $0xFFFFFFFF  }
0xc1: {  	_ =	task.clear_ibuf [dreg:s7], $0x2FFFF;
	_ =	strace $0x9FFFFFFF  }
0xc2: {  	(tm) =	ssettm $0x7FFFFFFF  }
0xc3: {  	_ =	shalt  }
tec
execute0_lowered:
.L_overlay_start_1:
0x0: {  	(tag) =	ssettag $0x1  }
0x1: {  	s1 =	srdreg.scid  }
0x2: {  	s0 =	stileid.u32;
	s1 =	sand.u32 $0x1, s1  }
0x3: {  	s3 =	rddreg [dreg:$0x0];
	s2 =	sshll.u32 s0, $0x5;
	s4 =	sshll.u32 s1, $0x4  }
0x4: {  	s5 =	rddreg [dreg:$0x1];
	s4 =	sor.u32 s4, s2;
	s2 =	simm.s32 $0x0  }
0x5: {  	s6 =	sand.u32 $0xF0, s4;
	[smem:$0x7FF] =	sst s2;
	s4 =	sadd.s32 s5, s4  }
0x6: {  	s25 =	simm.s32 $0x880;
	_ =	strace $0x80000047;
	[dreg:$0x3] =	wrdreg s4  }
0x7: {  	s26 =	simm.s32 $0x1080;
	[dreg:$0x5] =	wrdreg s25  }
0x8: {  	s0 =	simm.s32 $0x1880;
	[dreg:$0x6] =	wrdreg s26  }
0x9: {  	s7 =	simm.s32 $0x3080;
	[dreg:$0x7] =	wrdreg s0  }
0xa: {  	s8 =	simm.s32 $0x3880;
	[dreg:$0xa] =	wrdreg s7  }
0xb: {  	s9 =	simm.s32 $0x4080;
	[dreg:$0xb] =	wrdreg s8  }
0xc: {  	s10 =	simm.s32 $0x4880;
	[dreg:$0xc] =	wrdreg s9  }
0xd: {  	s11 =	simm.s32 $0x5080;
	[dreg:$0xd] =	wrdreg s10  }
0xe: {  	s12 =	simm.s32 $0x5880;
	[dreg:$0xe] =	wrdreg s11  }
0xf: {  	s13 =	simm.s32 $0x6080;
	[dreg:$0xf] =	wrdreg s12  }
0x10: {  	s14 =	simm.s32 $0x6880;
	[dreg:$0x10] =	wrdreg s13  }
0x11: {  	s15 =	simm.s32 $0x7080;
	s16 =	simm.s32 $0x7880;
	[dreg:$0x11] =	wrdreg s14  }
0x12: {  	s17 =	simm.s32 $0x8080;
	s18 =	simm.s32 $0x8880;
	[dreg:$0x12] =	wrdreg s15  }
0x13: {  	s19 =	simm.s32 $0x9080;
	s21 =	simm.s32 $0x9880;
	[dreg:$0x13] =	wrdreg s16  }
0x14: {  	s22 =	simm.s32 $0xA080;
	s23 =	simm.s32 $0xA880;
	[dreg:$0x14] =	wrdreg s17  }
0x15: {  	s24 =	simm.s32 $0xB880;
	s28 =	simm.s32 $0x16080;
	[dreg:$0x15] =	wrdreg s18  }
0x16: {  	s29 =	simm.s32 $0x16880;
	s1 =	ssub.s32 $0x2, s1;
	[dreg:$0x16] =	wrdreg s19  }
0x17: {  	s30 =	simm.s32 $0x17080;
	s20 =	sshrl.u32 s1, $0x1;
	[dreg:$0x17] =	wrdreg s21  }
0x18: {  	s31 =	simm.s32 $0x17880;
	s1 =	ssub.s32 s1, s20;
	[dreg:$0x18] =	wrdreg s22  }
0x19: {  	s20 =	simm.s32 $0x12880;
	s6 =	smul.u32 $0x300, s6;
	[dreg:$0x19] =	wrdreg s23  }
0x1a: {  	s4 =	simm.s32 $0x2080;
	s7 =	simm.s32 $0xB080;
	[dreg:$0x1b] =	wrdreg s24  }
0x1b: {  	s25 =	simm.s32 $0xC080;
	s8 =	simm.s32 $0x80;
	s26 =	simm.s32 $0xC880  }
0x1c: {  	s10 =	simm.s32 $0xD880;
	s11 =	simm.s32 $0xE080;
	s12 =	simm.s32 $0xE880  }
0x1d: {  	s13 =	simm.s32 $0xF080;
	s14 =	simm.s32 $0xF880;
	s15 =	simm.s32 $0x10080  }
0x1e: {  	s16 =	simm.s32 $0x10880;
	s17 =	simm.s32 $0x11080;
	s18 =	simm.s32 $0x11880  }
0x1f: {  	s19 =	simm.s32 $0x12080;
	s21 =	simm.s32 $0x13080;
	[dreg:$0x8] =	wrdreg s4  }
0x20: {  	s22 =	simm.s32 $0x13880;
	s23 =	simm.s32 $0x14080;
	[dreg:$0x1a] =	wrdreg s7  }
0x21: {  	s24 =	simm.s32 $0x14880;
	s4 =	sadd.s32 $0x300, s5;
	[dreg:$0x1c] =	wrdreg s25  }
0x22: {  	s7 =	simm.s32 $0x2;
	[dreg:$0x1d] =	wrdreg s26;
	s3 =	sadd.s32 s3, s6  }
0x23: {  	v2 =	vlaneseq.u32;
	s25 =	simm.s32 $0x15080;
	s6 =	simm.s32 $0x2880;
	[dreg:$0x4] =	wrdreg s3  }
0x24: {  	vm0 =	vmmov $0xffff;
	v1 =	vshrl.u32 v2, $0x3;
	s26 =	simm.s32 $0x15880;
	[dreg:$0x9] =	wrdreg s6;
	s3 =	sadd.s32 $0x200, s5  }
0x25: {  	v0 =	vand.u32 $0x7, v2;
	v2 =	vor.u32 $0x8, v2;
	v1 =	vmul.u32 $0x8, v1;
	s5 =	sadd.s32 $0x400, s5;
	s6 =	smax.u32 s1, $0x1;
	s1 =	simm.s32 $0x1  }
.LBB2_1:
0x26: {  	s0 =	rddreg [dreg:$0x3]  }
0x27: {  	[tilespmem:s2], [sflag:$0x2] =	stream.linear.gather [hbm4b:s0+s2], $0x80, $0x38;
	[tilespmem:$0x18080] =	vst v63  }
0x28: {  	_ =	swait.ge [sflag:s7], $0x80  }
0x29: {  	[sflag:s7] =	ssyncset.done $0x0  }
0x2a: {  	s9 =	rddreg [dreg:$0x4];
	[sflag:s7] =	ssyncadd.s32 $0xFFFFFF80  }
0x2b: {  	[tilespmem:s8], [sflag:$0x2] =	stream.linear.gather [hbm4b:s9+s2], $0x18000, $0x38;
	[tilespmem:$0x18080] =	vst v63  }
0x2c: {  	_ =	swait.ge [sflag:s7], $0x18000  }
0x2d: {  	[sflag:s7] =	ssyncset.done $0x0  }
0x2e: {  	[sflag:s7] =	ssyncadd.s32 $0xFFFE8000  }
0x2f: {  	v3 =	vld [tilespmem:$0x0];
	_ =	sdelay $0x4  }
0x30: {  	v4 =	vshrl.u32 v3, $0x3  }
0x31: {  	v4 =	vmul.u32 $0x30, v4  }
0x32: {  	v3 =	vand.u32 $0x7, v3  }
0x33: {  	v3 =	vor.u32 v3, v4  }
0x34: {  	v4 =	vperm.xlane v3, v0;
	_ =	sdelay $0x1  }
0x35: {  	v4 =	vadd.s32 v1, v4;
	_ =	sdelay $0x3  }
0x36: {  	v3 =	vperm.xlane v3, v2  }
0x37: {  	[hbm4b:s3+s2] =	stream.indirect_vreg.scatter [tilespmem:s8], [sflag:$0x1], $0x80, v4, vm0, $0xb8;
	[tilespmem:$0x18080] =	vst v63  }
0x38: {  	s0 =	rddreg [dreg:$0x5];
	v3 =	vadd.s32 v1, v3  }
0x39: {  	[hbm4b:s4+s2] =	stream.indirect_vreg.scatter [tilespmem:s0], [sflag:$0x1], $0x80, v4, vm0, $0xb8;
	[tilespmem:$0x18080] =	vst v63  }
0x3a: {  	s9 =	rddreg [dreg:$0x6]  }
0x3b: {  	[hbm4b:s5+s2] =	stream.indirect_vreg.scatter [tilespmem:s9], [sflag:$0x1], $0x80, v4, vm0, $0xb8;
	[tilespmem:$0x18080] =	vst v63  }
0x3c: {  	s0 =	rddreg [dreg:$0x7]  }
0x3d: {  	[hbm4b:s3+s2] =	stream.indirect_vreg.scatter [tilespmem:s0], [sflag:$0x1], $0x80, v3, vm0, $0xb8;
	[tilespmem:$0x18080] =	vst v63  }
0x3e: {  	s9 =	rddreg [dreg:$0x8]  }
0x3f: {  	[hbm4b:s4+s2] =	stream.indirect_vreg.scatter [tilespmem:s9], [sflag:$0x1], $0x80, v3, vm0, $0xb8;
	[tilespmem:$0x18080] =	vst v63  }
0x40: {  	s0 =	rddreg [dreg:$0x9]  }
0x41: {  	[hbm4b:s5+s2] =	stream.indirect_vreg.scatter [tilespmem:s0], [sflag:$0x1], $0x80, v3, vm0, $0xb8;
	[tilespmem:$0x18080] =	vst v63  }
0x42: {  	v3 =	vld [tilespmem:$0x10];
	_ =	sdelay $0x4  }
0x43: {  	v57 =	vshrl.u32 v3, $0x3  }
0x44: {  	v4 =	vmul.u32 $0x30, v57  }
0x45: {  	v3 =	vand.u32 $0x7, v3  }
0x46: {  	v3 =	vor.u32 v3, v4  }
0x47: {  	v4 =	vperm.xlane v3, v0;
	_ =	sdelay $0x1  }
0x48: {  	v4 =	vadd.s32 v1, v4;
	_ =	sdelay $0x3  }
0x49: {  	s0 =	rddreg [dreg:$0xa];
	v3 =	vperm.xlane v3, v2  }
0x4a: {  	[hbm4b:s3+s2] =	stream.indirect_vreg.scatter [tilespmem:s0], [sflag:$0x1], $0x80, v4, vm0, $0xb8;
	[tilespmem:$0x18080] =	vst v63  }
0x4b: {  	s9 =	rddreg [dreg:$0xb];
	v3 =	vadd.s32 v1, v3  }
0x4c: {  	[hbm4b:s4+s2] =	stream.indirect_vreg.scatter [tilespmem:s9], [sflag:$0x1], $0x80, v4, vm0, $0xb8;
	[tilespmem:$0x18080] =	vst v63  }
0x4d: {  	s0 =	rddreg [dreg:$0xc]  }
0x4e: {  	[hbm4b:s5+s2] =	stream.indirect_vreg.scatter [tilespmem:s0], [sflag:$0x1], $0x80, v4, vm0, $0xb8;
	[tilespmem:$0x18080] =	vst v63  }
0x4f: {  	s9 =	rddreg [dreg:$0xd]  }
0x50: {  	[hbm4b:s3+s2] =	stream.indirect_vreg.scatter [tilespmem:s9], [sflag:$0x1], $0x80, v3, vm0, $0xb8;
	[tilespmem:$0x18080] =	vst v63  }
0x51: {  	s0 =	rddreg [dreg:$0xe]  }
0x52: {  	[hbm4b:s4+s2] =	stream.indirect_vreg.scatter [tilespmem:s0], [sflag:$0x1], $0x80, v3, vm0, $0xb8;
	[tilespmem:$0x18080] =	vst v63  }
0x53: {  	s9 =	rddreg [dreg:$0xf]  }
0x54: {  	[hbm4b:s5+s2] =	stream.indirect_vreg.scatter [tilespmem:s9], [sflag:$0x1], $0x80, v3, vm0, $0xb8;
	[tilespmem:$0x18080] =	vst v63  }
0x55: {  	v3 =	vld [tilespmem:$0x20];
	_ =	sdelay $0x4  }
0x56: {  	v58 =	vshrl.u32 v3, $0x3  }
0x57: {  	v4 =	vmul.u32 $0x30, v58  }
0x58: {  	v3 =	vand.u32 $0x7, v3  }
0x59: {  	v3 =	vor.u32 v3, v4  }
0x5a: {  	v4 =	vperm.xlane v3, v0;
	_ =	sdelay $0x1  }
0x5b: {  	v4 =	vadd.s32 v1, v4;
	_ =	sdelay $0x3  }
0x5c: {  	s0 =	rddreg [dreg:$0x10];
	v3 =	vperm.xlane v3, v2  }
0x5d: {  	[hbm4b:s3+s2] =	stream.indirect_vreg.scatter [tilespmem:s0], [sflag:$0x1], $0x80, v4, vm0, $0xb8;
	[tilespmem:$0x18080] =	vst v63  }
0x5e: {  	s9 =	rddreg [dreg:$0x11];
	v3 =	vadd.s32 v1, v3  }
0x5f: {  	[hbm4b:s4+s2] =	stream.indirect_vreg.scatter [tilespmem:s9], [sflag:$0x1], $0x80, v4, vm0, $0xb8;
	[tilespmem:$0x18080] =	vst v63  }
0x60: {  	s0 =	rddreg [dreg:$0x12]  }
0x61: {  	[hbm4b:s5+s2] =	stream.indirect_vreg.scatter [tilespmem:s0], [sflag:$0x1], $0x80, v4, vm0, $0xb8;
	[tilespmem:$0x18080] =	vst v63  }
0x62: {  	s9 =	rddreg [dreg:$0x13]  }
0x63: {  	[hbm4b:s3+s2] =	stream.indirect_vreg.scatter [tilespmem:s9], [sflag:$0x1], $0x80, v3, vm0, $0xb8;
	[tilespmem:$0x18080] =	vst v63  }
0x64: {  	s0 =	rddreg [dreg:$0x14]  }
0x65: {  	[hbm4b:s4+s2] =	stream.indirect_vreg.scatter [tilespmem:s0], [sflag:$0x1], $0x80, v3, vm0, $0xb8;
	[tilespmem:$0x18080] =	vst v63  }
0x66: {  	s9 =	rddreg [dreg:$0x15]  }
0x67: {  	[hbm4b:s5+s2] =	stream.indirect_vreg.scatter [tilespmem:s9], [sflag:$0x1], $0x80, v3, vm0, $0xb8;
	[tilespmem:$0x18080] =	vst v63  }
0x68: {  	v3 =	vld [tilespmem:$0x30];
	_ =	sdelay $0x4  }
0x69: {  	v59 =	vshrl.u32 v3, $0x3  }
0x6a: {  	v4 =	vmul.u32 $0x30, v59  }
0x6b: {  	v3 =	vand.u32 $0x7, v3  }
0x6c: {  	v3 =	vor.u32 v3, v4  }
0x6d: {  	v4 =	vperm.xlane v3, v0;
	_ =	sdelay $0x1  }
0x6e: {  	v4 =	vadd.s32 v1, v4;
	_ =	sdelay $0x3  }
0x6f: {  	s0 =	rddreg [dreg:$0x16];
	v3 =	vperm.xlane v3, v2  }
0x70: {  	[hbm4b:s3+s2] =	stream.indirect_vreg.scatter [tilespmem:s0], [sflag:$0x1], $0x80, v4, vm0, $0xb8;
	[tilespmem:$0x18080] =	vst v63  }
0x71: {  	s9 =	rddreg [dreg:$0x17];
	v3 =	vadd.s32 v1, v3  }
0x72: {  	[hbm4b:s4+s2] =	stream.indirect_vreg.scatter [tilespmem:s9], [sflag:$0x1], $0x80, v4, vm0, $0xb8;
	[tilespmem:$0x18080] =	vst v63  }
0x73: {  	s0 =	rddreg [dreg:$0x18]  }
0x74: {  	[hbm4b:s5+s2] =	stream.indirect_vreg.scatter [tilespmem:s0], [sflag:$0x1], $0x80, v4, vm0, $0xb8;
	[tilespmem:$0x18080] =	vst v63  }
0x75: {  	s9 =	rddreg [dreg:$0x19]  }
0x76: {  	[hbm4b:s3+s2] =	stream.indirect_vreg.scatter [tilespmem:s9], [sflag:$0x1], $0x80, v3, vm0, $0xb8;
	[tilespmem:$0x18080] =	vst v63  }
0x77: {  	s0 =	rddreg [dreg:$0x1a]  }
0x78: {  	[hbm4b:s4+s2] =	stream.indirect_vreg.scatter [tilespmem:s0], [sflag:$0x1], $0x80, v3, vm0, $0xb8;
	[tilespmem:$0x18080] =	vst v63  }
0x79: {  	s9 =	rddreg [dreg:$0x1b]  }
0x7a: {  	[hbm4b:s5+s2] =	stream.indirect_vreg.scatter [tilespmem:s9], [sflag:$0x1], $0x80, v3, vm0, $0xb8;
	[tilespmem:$0x18080] =	vst v63  }
0x7b: {  	v3 =	vld [tilespmem:$0x40];
	_ =	sdelay $0x4  }
0x7c: {  	v60 =	vshrl.u32 v3, $0x3  }
0x7d: {  	v4 =	vmul.u32 $0x30, v60  }
0x7e: {  	v3 =	vand.u32 $0x7, v3  }
0x7f: {  	v3 =	vor.u32 v3, v4  }
0x80: {  	v4 =	vperm.xlane v3, v0;
	_ =	sdelay $0x1  }
0x81: {  	v4 =	vadd.s32 v1, v4;
	_ =	sdelay $0x3  }
0x82: {  	s0 =	rddreg [dreg:$0x1c];
	v3 =	vperm.xlane v3, v2  }
0x83: {  	[hbm4b:s3+s2] =	stream.indirect_vreg.scatter [tilespmem:s0], [sflag:$0x1], $0x80, v4, vm0, $0xb8;
	[tilespmem:$0x18080] =	vst v63  }
0x84: {  	s9 =	rddreg [dreg:$0x1d];
	v3 =	vadd.s32 v1, v3  }
0x85: {  	[hbm4b:s4+s2] =	stream.indirect_vreg.scatter [tilespmem:s9], [sflag:$0x1], $0x80, v4, vm0, $0xb8;
	[tilespmem:$0x18080] =	vst v63  }
0x86: {  	s9 =	simm.s32 $0xD080  }
0x87: {  	[hbm4b:s5+s2] =	stream.indirect_vreg.scatter [tilespmem:s9], [sflag:$0x1], $0x80, v4, vm0, $0xb8;
	[tilespmem:$0x18080] =	vst v63  }
0x88: {  	_ = 	snop  }
0x89: {  	[hbm4b:s3+s2] =	stream.indirect_vreg.scatter [tilespmem:s10], [sflag:$0x1], $0x80, v3, vm0, $0xb8;
	[tilespmem:$0x18080] =	vst v63  }
0x8a: {  	_ = 	snop  }
0x8b: {  	[hbm4b:s4+s2] =	stream.indirect_vreg.scatter [tilespmem:s11], [sflag:$0x1], $0x80, v3, vm0, $0xb8;
	[tilespmem:$0x18080] =	vst v63  }
0x8c: {  	_ = 	snop  }
0x8d: {  	[hbm4b:s5+s2] =	stream.indirect_vreg.scatter [tilespmem:s12], [sflag:$0x1], $0x80, v3, vm0, $0xb8;
	[tilespmem:$0x18080] =	vst v63  }
0x8e: {  	v3 =	vld [tilespmem:$0x50];
	_ =	sdelay $0x4  }
0x8f: {  	v61 =	vshrl.u32 v3, $0x3  }
0x90: {  	v4 =	vmul.u32 $0x30, v61  }
0x91: {  	v3 =	vand.u32 $0x7, v3  }
0x92: {  	v3 =	vor.u32 v3, v4  }
0x93: {  	v4 =	vperm.xlane v3, v0;
	_ =	sdelay $0x1  }
0x94: {  	v4 =	vadd.s32 v1, v4;
	_ =	sdelay $0x3  }
0x95: {  	v3 =	vperm.xlane v3, v2  }
0x96: {  	[hbm4b:s3+s2] =	stream.indirect_vreg.scatter [tilespmem:s13], [sflag:$0x1], $0x80, v4, vm0, $0xb8;
	[tilespmem:$0x18080] =	vst v63  }
0x97: {  	v3 =	vadd.s32 v1, v3  }
0x98: {  	[hbm4b:s4+s2] =	stream.indirect_vreg.scatter [tilespmem:s14], [sflag:$0x1], $0x80, v4, vm0, $0xb8;
	[tilespmem:$0x18080] =	vst v63  }
0x99: {  	_ = 	snop  }
0x9a: {  	[hbm4b:s5+s2] =	stream.indirect_vreg.scatter [tilespmem:s15], [sflag:$0x1], $0x80, v4, vm0, $0xb8;
	[tilespmem:$0x18080] =	vst v63  }
0x9b: {  	_ = 	snop  }
0x9c: {  	[hbm4b:s3+s2] =	stream.indirect_vreg.scatter [tilespmem:s16], [sflag:$0x1], $0x80, v3, vm0, $0xb8;
	[tilespmem:$0x18080] =	vst v63  }
0x9d: {  	_ = 	snop  }
0x9e: {  	[hbm4b:s4+s2] =	stream.indirect_vreg.scatter [tilespmem:s17], [sflag:$0x1], $0x80, v3, vm0, $0xb8;
	[tilespmem:$0x18080] =	vst v63  }
0x9f: {  	_ = 	snop  }
0xa0: {  	[hbm4b:s5+s2] =	stream.indirect_vreg.scatter [tilespmem:s18], [sflag:$0x1], $0x80, v3, vm0, $0xb8;
	[tilespmem:$0x18080] =	vst v63  }
0xa1: {  	v3 =	vld [tilespmem:$0x60];
	_ =	sdelay $0x4  }
0xa2: {  	v62 =	vshrl.u32 v3, $0x3  }
0xa3: {  	v4 =	vmul.u32 $0x30, v62  }
0xa4: {  	v3 =	vand.u32 $0x7, v3  }
0xa5: {  	v3 =	vor.u32 v3, v4  }
0xa6: {  	v4 =	vperm.xlane v3, v0;
	_ =	sdelay $0x1  }
0xa7: {  	v4 =	vadd.s32 v1, v4;
	_ =	sdelay $0x3  }
0xa8: {  	v3 =	vperm.xlane v3, v2  }
0xa9: {  	[hbm4b:s3+s2] =	stream.indirect_vreg.scatter [tilespmem:s19], [sflag:$0x1], $0x80, v4, vm0, $0xb8;
	[tilespmem:$0x18080] =	vst v63  }
0xaa: {  	v3 =	vadd.s32 v1, v3  }
0xab: {  	[hbm4b:s4+s2] =	stream.indirect_vreg.scatter [tilespmem:s20], [sflag:$0x1], $0x80, v4, vm0, $0xb8;
	[tilespmem:$0x18080] =	vst v63  }
0xac: {  	_ = 	snop  }
0xad: {  	[hbm4b:s5+s2] =	stream.indirect_vreg.scatter [tilespmem:s21], [sflag:$0x1], $0x80, v4, vm0, $0xb8;
	[tilespmem:$0x18080] =	vst v63  }
0xae: {  	_ = 	snop  }
0xaf: {  	[hbm4b:s3+s2] =	stream.indirect_vreg.scatter [tilespmem:s22], [sflag:$0x1], $0x80, v3, vm0, $0xb8;
	[tilespmem:$0x18080] =	vst v63  }
0xb0: {  	_ = 	snop  }
0xb1: {  	[hbm4b:s4+s2] =	stream.indirect_vreg.scatter [tilespmem:s23], [sflag:$0x1], $0x80, v3, vm0, $0xb8;
	[tilespmem:$0x18080] =	vst v63  }
0xb2: {  	_ = 	snop  }
0xb3: {  	[hbm4b:s5+s2] =	stream.indirect_vreg.scatter [tilespmem:s24], [sflag:$0x1], $0x80, v3, vm0, $0xb8;
	[tilespmem:$0x18080] =	vst v63  }
0xb4: {  	v3 =	vld [tilespmem:$0x70];
	_ =	sdelay $0x4  }
0xb5: {  	v63 =	vshrl.u32 v3, $0x3  }
0xb6: {  	v4 =	vmul.u32 $0x30, v63  }
0xb7: {  	v3 =	vand.u32 $0x7, v3  }
0xb8: {  	v3 =	vor.u32 v3, v4  }
0xb9: {  	v4 =	vperm.xlane v3, v0;
	_ =	sdelay $0x1  }
0xba: {  	v4 =	vadd.s32 v1, v4;
	_ =	sdelay $0x3  }
0xbb: {  	v3 =	vperm.xlane v3, v2  }
0xbc: {  	[hbm4b:s3+s2] =	stream.indirect_vreg.scatter [tilespmem:s25], [sflag:$0x1], $0x80, v4, vm0, $0xb8;
	[tilespmem:$0x18080] =	vst v63  }
0xbd: {  	v3 =	vadd.s32 v1, v3  }
0xbe: {  	[hbm4b:s4+s2] =	stream.indirect_vreg.scatter [tilespmem:s26], [sflag:$0x1], $0x80, v4, vm0, $0xb8;
	[tilespmem:$0x18080] =	vst v63  }
0xbf: {  	_ = 	snop  }
0xc0: {  	[hbm4b:s5+s2] =	stream.indirect_vreg.scatter [tilespmem:s28], [sflag:$0x1], $0x80, v4, vm0, $0xb8;
	[tilespmem:$0x18080] =	vst v63  }
0xc1: {  	_ = 	snop  }
0xc2: {  	[hbm4b:s3+s2] =	stream.indirect_vreg.scatter [tilespmem:s29], [sflag:$0x1], $0x80, v3, vm0, $0xb8;
	[tilespmem:$0x18080] =	vst v63  }
0xc3: {  	p0 =	sne.s32 s6, $0x1  }
0xc4: {  	[hbm4b:s4+s2] =	stream.indirect_vreg.scatter [tilespmem:s30], [sflag:$0x1], $0x80, v3, vm0, $0xb8;
	[tilespmem:$0x18080] =	vst v63  }
.Ltmp0:
0xc5: {  	_ = 	snop;
	(pc) =	sbr.rel @p0 .LBB2_1-.Ltmp0, $4  }
0xc6: {  	[hbm4b:s5+s2] =	stream.indirect_vreg.scatter [tilespmem:s31], [sflag:$0x1], $0x80, v3, vm0, $0xb8;
	[tilespmem:$0x18080] =	vst v63  }
0xc7: {  	_ =	swait.ge [sflag:s1], $0x18000  }
0xc8: {  	[sflag:s1] =	ssyncset.done $0x0  }
0xc9: {  	s6 =	sadd.s32 $0xFFFFFFFF, s6;
	[sflag:s1] =	ssyncadd.s32 $0xFFFE8000  }
0xca: {  	_ =	sfence.sel $0x180000  }
0xcb: {  	[bflag:$0x0] =	sbarrier.arrive $0xFFFF  }
0xcc: {  	_ =	strace $0x90000047  }
0xcd: {  	s0 =	stileid.u32;
	[bflag:$0x2] =	sbarrier.arrive $0xFFFF  }
0xce: {  	p0 =	sne.s32 s0, $0x0;
	s0 =	rddreg [dreg:$0x2]  }
0xcf: {  	s0 =	sadd.s32 @!p0 $0x100000, s0  }
0xd0: {  	[sflag:s0] =	ssyncadd.tile.s32 @!p0 $0x1;
	_ =	shalt  }
.Lfunc_end2:
_tile_overlayer_lowered:
.L_overlay_start_2:
0xd1: {  	(tag) =	ssettag $0x2  }
0xd2: {  	s0 =	rddreg [dreg:$0x0];
	s2 =	stileid.u32  }
0xd3: {  	s1 =	rddreg [dreg:$0x1];
	p0 =	sne.s32 s2, $0x0  }
0xd4: {  	s3 =	rddreg [dreg:$0x2];
	[bflag:$0x3] =	sbarrier.arrive $0xFFFF;
	s2 =	simm.s32 @!p0 $0x1C02  }
0xd5: {  	[timem:s3], [sflag:s2] =	dma.local @!p0 [hbm:s0], s1  }
0xd6: {  	s0 =	simm.s32 @!p0 $0x2  }
0xd7: {  	_ =	swait.ge @!p0 [sflag:s0], s1  }
0xd8: {  	s1 =	ssub.s32 @!p0 $0x0, s1;
	[sflag:s0] =	ssyncset.done @!p0 $0x0  }
0xd9: {  	[sflag:s0] =	ssyncadd.s32 @!p0 s1  }
0xda: {  	[bflag:$0x3] =	sbarrier.arrive $0xFFFF  }
0xdb: {  	_ =	shalt  }

</sc_bundles>
